<compile_context>
chip_gen: v7x
topology: tpu7x:2x2x1
jax: 0.10.2.dev20260603
libtpu: 0.0.44.dev20260713+nightly
codegen_flags: <defaults>
</compile_context>

<pallas_src>
import functools

import jax
import jax.numpy as jnp
from jax import lax
from jax.experimental import pallas as pl
from jax.experimental.pallas import tpu as pltpu
from jax.experimental.pallas import tpu_sc as plsc

NUM_EMB = 1_000_000
D = 64
NB = 16384
NSEQ = 20
C = 128
NITEM = NSEQ * (NB // C)
NC, NS = 2, 16
NW = NC * NS
IPW = NITEM // NW
VBLK = NB // C

NT = (NUM_EMB + 127) // 128
TPW = (NT + NW - 1) // NW
TCW = 512
HALF = 500224
NTC2 = HALF // TCW
TP_ROWS = HALF

NBUF = 4
GA = 3

_mesh = plsc.VectorSubcoreMesh(core_axis_name="c", subcore_axis_name="s")

_params = pltpu.CompilerParams(
    use_tc_tiling_on_sc=True, needs_layout_passes=False)


def _tc_pack_body(ta_ref, tb_ref, tp_ref):
    tp_ref[:, 0:64] = ta_ref[...].T
    tp_ref[:, 64:128] = tb_ref[...].T


_pack_table = pl.pallas_call(
    _tc_pack_body,
    grid=(NTC2,),
    in_specs=[
        pl.BlockSpec((D, TCW), lambda g: (0, g)),
        pl.BlockSpec((D, TCW), lambda g: (0, g + NTC2)),
    ],
    out_specs=pl.BlockSpec((TCW, 128), lambda g: (g, 0)),
    out_shape=jax.ShapeDtypeStruct((TP_ROWS, 128), jnp.float32),
)


@functools.partial(
    pl.kernel,
    out_type=jax.ShapeDtypeStruct((NSEQ, D, NB), jnp.float32),
    mesh=_mesh,
    scratch_types=[
        pltpu.VMEM((IPW, C), jnp.int32),
        pltpu.VMEM((C,), jnp.int32),
        pltpu.VMEM((C,), jnp.int32),
        pltpu.VMEM((C, 129), jnp.float32),
        pltpu.VMEM((C, 129), jnp.float32),
        pltpu.VMEM((D, C), jnp.float32),
        pltpu.VMEM((D, C), jnp.float32),
        pltpu.SemaphoreType.DMA,
        pltpu.SemaphoreType.DMA,
    ],
    compiler_params=_params,
)
def _emb_lookup(tok_hbm, tp_hbm, out_hbm, tok_v, i0, i1,
                r0, r1, o0, o1, gsem, ssem):
    idx2s = [i0, i1]
    rows = [r0, r1]
    outts = [o0, o1]
    wid = lax.axis_index("s") * NC + lax.axis_index("c")
    base_item = wid * IPW
    pltpu.sync_copy(tok_hbm.at[pl.ds(base_item, IPW)], tok_v)

    lane = lax.iota(jnp.int32, 16)
    rowsels = [lane + 16 * q for q in range(8)]

    def start_gather(i, slot):
        icl = jnp.minimum(i, IPW - 1)
        for q in range(8):
            t = tok_v[icl, pl.ds(16 * q, 16)]
            idx2s[slot][pl.ds(16 * q, 16)] = jnp.where(
                t >= HALF, t - HALF, t)
        pltpu.async_copy(tp_hbm.at[idx2s[slot]],
                         rows[slot].at[:, pl.ds(0, 128)], gsem)

    def wait_gather(slot):
        pltpu.make_async_copy(tp_hbm.at[idx2s[slot]],
                              rows[slot].at[:, pl.ds(0, 128)], gsem).wait()

    def start_store(i, slot):
        item = base_item + i
        s = item // VBLK
        vb = item % VBLK
        pltpu.async_copy(outts[slot],
                         out_hbm.at[s, :, pl.ds(vb * C, C)], ssem)

    def wait_store(slot):
        pltpu.make_async_copy(outts[slot],
                              out_hbm.at[0, :, pl.ds(0, C)], ssem).wait()

    start_gather(0, 0)

    def body(g, carry):
        for b in range(2):
            i = g * 2 + b
            wait_gather(b)
            start_gather(i + 1, (b + 1) % 2)

            @pl.when(i >= 2)
            def _():
                wait_store(b % 2)

            paroffs = []
            for q in range(8):
                t = tok_v[i, pl.ds(16 * q, 16)]
                paroffs.append(jnp.where(t >= HALF, 64, 0))

            @plsc.parallel_loop(0, D, unroll=4)
            def tbody(d):
                for q in range(8):
                    v = plsc.load_gather(rows[b],
                                         [rowsels[q], paroffs[q] + d])
                    outts[b % 2][d, pl.ds(16 * q, 16)] = v

            start_store(i, b % 2)
        return carry

    lax.fori_loop(0, IPW // 2, body, 0)

    wait_gather(IPW % 2)
    wait_store(0)
    wait_store(1)


def kernel(token_ids, embeddings):
    tt = embeddings.T
    tp = _pack_table(tt, tt)
    tok = token_ids.T.reshape(NITEM, C).astype(jnp.int32)
    out3 = _emb_lookup(tok, tp)
    return out3.transpose(2, 0, 1)

# --- scband reference (transcript-rebuilt; emitter-appended) ---
"""Pipeline reference for scband-embedding-41652592836897 (READ-ONLY COPY).

The authoritative reference and input builder live on the scoring server;
editing this copy changes nothing except your own understanding.
"""

import jax, jax.numpy as jnp
import numpy as np
import math

NUM_EMBEDDINGS = 1000000
EMBEDDING_DIM = 64

def setup_inputs(seed: int = 0) -> dict:
    key = jax.random.key(seed)
    k_idx, k_emb = jax.random.split(key)
    token_ids = jax.random.randint(k_idx, (16384, 20), 0, NUM_EMBEDDINGS, dtype=jnp.int64 if jax.config.jax_enable_x64 else jnp.int32)
    std = math.sqrt(2.0 / (NUM_EMBEDDINGS + EMBEDDING_DIM))
    # truncated normal in [-3*std, 3*std], mean 0
    emb = jax.random.truncated_normal(k_emb, -3.0, 3.0, (NUM_EMBEDDINGS, EMBEDDING_DIM), dtype=jnp.float32) * std
    return {"token_ids": token_ids, "embeddings": emb}

def reference(token_ids, embeddings):
    # Faithful to torch: self.embeddings[token_ids]
    return jnp.take(embeddings, token_ids, axis=0)

if __name__ == "__main__":
    import jax
    _d = setup_inputs()
    print(jax.jit(kernel)(*tuple(_d.values())))

</pallas_src>

<mosaic_0001>
#map = affine_map<(d0, d1) -> (0, 0)>
#map1 = affine_map<(d0, d1) -> (0, 0, 0)>
module attributes {stable_mosaic.version = 14 : i64} {
  func.func @_emb_lookup(%arg0: i32, %arg1: i32, %arg2: memref<2560x128xi32, #tpu.memory_space<hbm>>, %arg3: memref<500224x128xf32, #tpu.memory_space<hbm>>, %arg4: memref<20x64x16384xf32, #tpu.memory_space<hbm>>, %arg5: memref<80x128xi32, #tpu.memory_space<vmem>>, %arg6: memref<128xi32, #tpu.memory_space<vmem>>, %arg7: memref<128xi32, #tpu.memory_space<vmem>>, %arg8: memref<128x129xf32, #tpu.memory_space<vmem>>, %arg9: memref<128x129xf32, #tpu.memory_space<vmem>>, %arg10: memref<64x128xf32, #tpu.memory_space<vmem>>, %arg11: memref<64x128xf32, #tpu.memory_space<vmem>>, %arg12: memref<!tpu.dma_semaphore, #tpu.memory_space<semaphore_mem>>, %arg13: memref<!tpu.dma_semaphore, #tpu.memory_space<semaphore_mem>>) attributes {dimension_semantics = [#tpu.dimension_semantics<core_parallel>, #tpu.dimension_semantics<subcore_parallel>], iteration_bounds = array<i64: 2, 16>, scalar_prefetch = 0 : i64, scratch_operands = 9 : i64, tpu.core_type = #tpu.core_type<sc_vector_subcore>, window_params = [{transform_indices = #map}, {transform_indices = #map}, {transform_indices = #map1}]} {
    %mul3A = arith.constant 2 : i32
    %mul3A_0 = arith.muli %arg1, %mul3A : i32
    %add3A = arith.addi %mul3A_0, %arg0 : i32
    %mul3A_1 = arith.constant 80 : i32
    %mul3A_2 = arith.muli %add3A, %mul3A_1 : i32
    "tpu.region"() ({
      %run_scoped3A = tpu.sem_alloc : memref<!tpu.dma_semaphore, #tpu.memory_space<semaphore_mem>>
      %dma_start3A_153 = arith.constant 0 : i32
      %dma_start3A_154 = tpu.memref_slice %arg2[%mul3A_2, %dma_start3A_153] : memref<2560x128xi32, #tpu.memory_space<hbm>> -> memref<80x128xi32, #tpu.memory_space<hbm>>
      %dma_start3A_155 = arith.constant 0 : i32
      %dma_start3A_156 = tpu.memref_slice %arg2[%mul3A_2, %dma_start3A_155] : memref<2560x128xi32, #tpu.memory_space<hbm>> -> memref<80x128xi32, #tpu.memory_space<hbm>>
      tpu.enqueue_dma source(%dma_start3A_156 : memref<80x128xi32, #tpu.memory_space<hbm>>) target(%arg5 : memref<80x128xi32, #tpu.memory_space<vmem>>) target_semaphore(%run_scoped3A : memref<!tpu.dma_semaphore, #tpu.memory_space<semaphore_mem>>)
      %dma_wait3A_157 = arith.constant 0 : i32
      %dma_wait3A_158 = tpu.memref_slice %arg2[%mul3A_2, %dma_wait3A_157] : memref<2560x128xi32, #tpu.memory_space<hbm>> -> memref<80x128xi32, #tpu.memory_space<hbm>>
      %dma_wait3A_159 = arith.constant 0 : i32
      %dma_wait3A_160 = tpu.memref_slice %arg2[%mul3A_2, %dma_wait3A_159] : memref<2560x128xi32, #tpu.memory_space<hbm>> -> memref<80x128xi32, #tpu.memory_space<hbm>>
      tpu.wait_dma2 semaphore(%run_scoped3A : memref<!tpu.dma_semaphore, #tpu.memory_space<semaphore_mem>>) src(%dma_wait3A_160 : memref<80x128xi32, #tpu.memory_space<hbm>>) dst(%arg5 : memref<80x128xi32, #tpu.memory_space<vmem>>)
      tpu.yield
    }) : () -> ()
    %iota3A = tpu.iota {dimensions = array<i32: 0>} : vector<16xi32>
    %add3A_3 = arith.constant 0 : i32
    %add3A_4 = vector.broadcast %add3A_3 : i32 to vector<16xi32>
    %add3A_5 = arith.addi %iota3A, %add3A_4 : vector<16xi32>
    %add3A_6 = arith.constant 16 : i32
    %add3A_7 = vector.broadcast %add3A_6 : i32 to vector<16xi32>
    %add3A_8 = arith.addi %iota3A, %add3A_7 : vector<16xi32>
    %add3A_9 = arith.constant 32 : i32
    %add3A_10 = vector.broadcast %add3A_9 : i32 to vector<16xi32>
    %add3A_11 = arith.addi %iota3A, %add3A_10 : vector<16xi32>
    %add3A_12 = arith.constant 48 : i32
    %add3A_13 = vector.broadcast %add3A_12 : i32 to vector<16xi32>
    %add3A_14 = arith.addi %iota3A, %add3A_13 : vector<16xi32>
    %add3A_15 = arith.constant 64 : i32
    %add3A_16 = vector.broadcast %add3A_15 : i32 to vector<16xi32>
    %add3A_17 = arith.addi %iota3A, %add3A_16 : vector<16xi32>
    %add3A_18 = arith.constant 80 : i32
    %add3A_19 = vector.broadcast %add3A_18 : i32 to vector<16xi32>
    %add3A_20 = arith.addi %iota3A, %add3A_19 : vector<16xi32>
    %add3A_21 = arith.constant 96 : i32
    %add3A_22 = vector.broadcast %add3A_21 : i32 to vector<16xi32>
    %add3A_23 = arith.addi %iota3A, %add3A_22 : vector<16xi32>
    %add3A_24 = arith.constant 112 : i32
    %add3A_25 = vector.broadcast %add3A_24 : i32 to vector<16xi32>
    %add3A_26 = arith.addi %iota3A, %add3A_25 : vector<16xi32>
    %min3A = arith.constant 0 : i32
    %min3A_27 = arith.constant 79 : i32
    %min3A_28 = arith.minsi %min3A, %min3A_27 : i32
    %get3A = arith.index_cast %min3A_28 : i32 to index
    %get3A_29 = arith.constant 0 : index
    %get3A_30 = tpu.vector_load %arg5[%get3A, %get3A_29] {strides = array<i32>} : memref<80x128xi32, #tpu.memory_space<vmem>>, vector<16xi32>,
    %ge3A = arith.constant 500224 : i32
    %ge3A_31 = vector.broadcast %ge3A : i32 to vector<16xi32>
    %ge3A_32 = arith.cmpi sge, %get3A_30, %ge3A_31 : vector<16xi32>
    %sub3A = arith.constant 500224 : i32
    %sub3A_33 = vector.broadcast %sub3A : i32 to vector<16xi32>
    %sub3A_34 = arith.subi %get3A_30, %sub3A_33 : vector<16xi32>
    %select_n3A = arith.select %ge3A_32, %sub3A_34, %get3A_30 : vector<16xi1>, vector<16xi32>
    %swap3A = arith.constant 0 : index
    %swap3A_35 = tpu.vector_load %arg6[%swap3A] {strides = array<i32>} : memref<128xi32, #tpu.memory_space<vmem>>, vector<16xi32>,
    tpu.vector_store %arg6[%swap3A], %select_n3A {strides = array<i32>} : memref<128xi32, #tpu.memory_space<vmem>>, vector<16xi32>,
    %get3A_36 = arith.index_cast %min3A_28 : i32 to index
    %get3A_37 = arith.constant 16 : index
    %get3A_38 = tpu.vector_load %arg5[%get3A_36, %get3A_37] {strides = array<i32>} : memref<80x128xi32, #tpu.memory_space<vmem>>, vector<16xi32>,
    %ge3A_39 = arith.constant 500224 : i32
    %ge3A_40 = vector.broadcast %ge3A_39 : i32 to vector<16xi32>
    %ge3A_41 = arith.cmpi sge, %get3A_38, %ge3A_40 : vector<16xi32>
    %sub3A_42 = arith.constant 500224 : i32
    %sub3A_43 = vector.broadcast %sub3A_42 : i32 to vector<16xi32>
    %sub3A_44 = arith.subi %get3A_38, %sub3A_43 : vector<16xi32>
    %select_n3A_45 = arith.select %ge3A_41, %sub3A_44, %get3A_38 : vector<16xi1>, vector<16xi32>
    %swap3A_46 = arith.constant 16 : index
    %swap3A_47 = tpu.vector_load %arg6[%swap3A_46] {strides = array<i32>} : memref<128xi32, #tpu.memory_space<vmem>>, vector<16xi32>,
    tpu.vector_store %arg6[%swap3A_46], %select_n3A_45 {strides = array<i32>} : memref<128xi32, #tpu.memory_space<vmem>>, vector<16xi32>,
    %get3A_48 = arith.index_cast %min3A_28 : i32 to index
    %get3A_49 = arith.constant 32 : index
    %get3A_50 = tpu.vector_load %arg5[%get3A_48, %get3A_49] {strides = array<i32>} : memref<80x128xi32, #tpu.memory_space<vmem>>, vector<16xi32>,
    %ge3A_51 = arith.constant 500224 : i32
    %ge3A_52 = vector.broadcast %ge3A_51 : i32 to vector<16xi32>
    %ge3A_53 = arith.cmpi sge, %get3A_50, %ge3A_52 : vector<16xi32>
    %sub3A_54 = arith.constant 500224 : i32
    %sub3A_55 = vector.broadcast %sub3A_54 : i32 to vector<16xi32>
    %sub3A_56 = arith.subi %get3A_50, %sub3A_55 : vector<16xi32>
    %select_n3A_57 = arith.select %ge3A_53, %sub3A_56, %get3A_50 : vector<16xi1>, vector<16xi32>
    %swap3A_58 = arith.constant 32 : index
    %swap3A_59 = tpu.vector_load %arg6[%swap3A_58] {strides = array<i32>} : memref<128xi32, #tpu.memory_space<vmem>>, vector<16xi32>,
    tpu.vector_store %arg6[%swap3A_58], %select_n3A_57 {strides = array<i32>} : memref<128xi32, #tpu.memory_space<vmem>>, vector<16xi32>,
    %get3A_60 = arith.index_cast %min3A_28 : i32 to index
    %get3A_61 = arith.constant 48 : index
    %get3A_62 = tpu.vector_load %arg5[%get3A_60, %get3A_61] {strides = array<i32>} : memref<80x128xi32, #tpu.memory_space<vmem>>, vector<16xi32>,
    %ge3A_63 = arith.constant 500224 : i32
    %ge3A_64 = vector.broadcast %ge3A_63 : i32 to vector<16xi32>
    %ge3A_65 = arith.cmpi sge, %get3A_62, %ge3A_64 : vector<16xi32>
    %sub3A_66 = arith.constant 500224 : i32
    %sub3A_67 = vector.broadcast %sub3A_66 : i32 to vector<16xi32>
    %sub3A_68 = arith.subi %get3A_62, %sub3A_67 : vector<16xi32>
    %select_n3A_69 = arith.select %ge3A_65, %sub3A_68, %get3A_62 : vector<16xi1>, vector<16xi32>
    %swap3A_70 = arith.constant 48 : index
    %swap3A_71 = tpu.vector_load %arg6[%swap3A_70] {strides = array<i32>} : memref<128xi32, #tpu.memory_space<vmem>>, vector<16xi32>,
    tpu.vector_store %arg6[%swap3A_70], %select_n3A_69 {strides = array<i32>} : memref<128xi32, #tpu.memory_space<vmem>>, vector<16xi32>,
    %get3A_72 = arith.index_cast %min3A_28 : i32 to index
    %get3A_73 = arith.constant 64 : index
    %get3A_74 = tpu.vector_load %arg5[%get3A_72, %get3A_73] {strides = array<i32>} : memref<80x128xi32, #tpu.memory_space<vmem>>, vector<16xi32>,
    %ge3A_75 = arith.constant 500224 : i32
    %ge3A_76 = vector.broadcast %ge3A_75 : i32 to vector<16xi32>
    %ge3A_77 = arith.cmpi sge, %get3A_74, %ge3A_76 : vector<16xi32>
    %sub3A_78 = arith.constant 500224 : i32
    %sub3A_79 = vector.broadcast %sub3A_78 : i32 to vector<16xi32>
    %sub3A_80 = arith.subi %get3A_74, %sub3A_79 : vector<16xi32>
    %select_n3A_81 = arith.select %ge3A_77, %sub3A_80, %get3A_74 : vector<16xi1>, vector<16xi32>
    %swap3A_82 = arith.constant 64 : index
    %swap3A_83 = tpu.vector_load %arg6[%swap3A_82] {strides = array<i32>} : memref<128xi32, #tpu.memory_space<vmem>>, vector<16xi32>,
    tpu.vector_store %arg6[%swap3A_82], %select_n3A_81 {strides = array<i32>} : memref<128xi32, #tpu.memory_space<vmem>>, vector<16xi32>,
    %get3A_84 = arith.index_cast %min3A_28 : i32 to index
    %get3A_85 = arith.constant 80 : index
    %get3A_86 = tpu.vector_load %arg5[%get3A_84, %get3A_85] {strides = array<i32>} : memref<80x128xi32, #tpu.memory_space<vmem>>, vector<16xi32>,
    %ge3A_87 = arith.constant 500224 : i32
    %ge3A_88 = vector.broadcast %ge3A_87 : i32 to vector<16xi32>
    %ge3A_89 = arith.cmpi sge, %get3A_86, %ge3A_88 : vector<16xi32>
    %sub3A_90 = arith.constant 500224 : i32
    %sub3A_91 = vector.broadcast %sub3A_90 : i32 to vector<16xi32>
    %sub3A_92 = arith.subi %get3A_86, %sub3A_91 : vector<16xi32>
    %select_n3A_93 = arith.select %ge3A_89, %sub3A_92, %get3A_86 : vector<16xi1>, vector<16xi32>
    %swap3A_94 = arith.constant 80 : index
    %swap3A_95 = tpu.vector_load %arg6[%swap3A_94] {strides = array<i32>} : memref<128xi32, #tpu.memory_space<vmem>>, vector<16xi32>,
    tpu.vector_store %arg6[%swap3A_94], %select_n3A_93 {strides = array<i32>} : memref<128xi32, #tpu.memory_space<vmem>>, vector<16xi32>,
    %get3A_96 = arith.index_cast %min3A_28 : i32 to index
    %get3A_97 = arith.constant 96 : index
    %get3A_98 = tpu.vector_load %arg5[%get3A_96, %get3A_97] {strides = array<i32>} : memref<80x128xi32, #tpu.memory_space<vmem>>, vector<16xi32>,
    %ge3A_99 = arith.constant 500224 : i32
    %ge3A_100 = vector.broadcast %ge3A_99 : i32 to vector<16xi32>
    %ge3A_101 = arith.cmpi sge, %get3A_98, %ge3A_100 : vector<16xi32>
    %sub3A_102 = arith.constant 500224 : i32
    %sub3A_103 = vector.broadcast %sub3A_102 : i32 to vector<16xi32>
    %sub3A_104 = arith.subi %get3A_98, %sub3A_103 : vector<16xi32>
    %select_n3A_105 = arith.select %ge3A_101, %sub3A_104, %get3A_98 : vector<16xi1>, vector<16xi32>
    %swap3A_106 = arith.constant 96 : index
    %swap3A_107 = tpu.vector_load %arg6[%swap3A_106] {strides = array<i32>} : memref<128xi32, #tpu.memory_space<vmem>>, vector<16xi32>,
    tpu.vector_store %arg6[%swap3A_106], %select_n3A_105 {strides = array<i32>} : memref<128xi32, #tpu.memory_space<vmem>>, vector<16xi32>,
    %get3A_108 = arith.index_cast %min3A_28 : i32 to index
    %get3A_109 = arith.constant 112 : index
    %get3A_110 = tpu.vector_load %arg5[%get3A_108, %get3A_109] {strides = array<i32>} : memref<80x128xi32, #tpu.memory_space<vmem>>, vector<16xi32>,
    %ge3A_111 = arith.constant 500224 : i32
    %ge3A_112 = vector.broadcast %ge3A_111 : i32 to vector<16xi32>
    %ge3A_113 = arith.cmpi sge, %get3A_110, %ge3A_112 : vector<16xi32>
    %sub3A_114 = arith.constant 500224 : i32
    %sub3A_115 = vector.broadcast %sub3A_114 : i32 to vector<16xi32>
    %sub3A_116 = arith.subi %get3A_110, %sub3A_115 : vector<16xi32>
    %select_n3A_117 = arith.select %ge3A_113, %sub3A_116, %get3A_110 : vector<16xi1>, vector<16xi32>
    %swap3A_118 = arith.constant 112 : index
    %swap3A_119 = tpu.vector_load %arg6[%swap3A_118] {strides = array<i32>} : memref<128xi32, #tpu.memory_space<vmem>>, vector<16xi32>,
    tpu.vector_store %arg6[%swap3A_118], %select_n3A_117 {strides = array<i32>} : memref<128xi32, #tpu.memory_space<vmem>>, vector<16xi32>,
    %dma_start3A = arith.constant 0 : i32
    %dma_start3A_120 = arith.constant 0 : i32
    %dma_start3A_121 = tpu.memref_slice %arg8[%dma_start3A, %dma_start3A_120] : memref<128x129xf32, #tpu.memory_space<vmem>> -> memref<128x128xf32, #tpu.memory_space<vmem>>
    %dma_start3A_122 = arith.constant 0 : i32
    %dma_start3A_123 = arith.constant 0 : i32
    %dma_start3A_124 = tpu.memref_slice %arg3[%dma_start3A_122, %dma_start3A_123] : memref<500224x128xf32, #tpu.memory_space<hbm>> -> memref<500224x128xf32, #tpu.memory_space<hbm>>
    tpu.enqueue_indirect_dma source(%dma_start3A_124 : memref<500224x128xf32, #tpu.memory_space<hbm>>) target(%dma_start3A_121 : memref<128x128xf32, #tpu.memory_space<vmem>>) offsets(%arg6 : memref<128xi32, #tpu.memory_space<vmem>>) semaphore(%arg12 : memref<!tpu.dma_semaphore, #tpu.memory_space<semaphore_mem>>)
    %scan3A = arith.constant 0 : i32
    %scan3A_125 = arith.constant 0 : i32
    %scan3A_126 = arith.constant 40 : i32
    %scan3A_127 = arith.addi %scan3A_125, %scan3A_126 : i32
    %scan3A_128 = arith.constant 1 : i32
    scf.for %scan3A_153 = %scan3A_125 to %scan3A_127 step %scan3A_128  : i32 {
      %mul3A_154 = arith.constant 2 : i32
      %mul3A_155 = arith.muli %scan3A_153, %mul3A_154 : i32
      %add3A_156 = arith.constant 0 : i32
      %add3A_157 = arith.addi %mul3A_155, %add3A_156 : i32
      %dma_wait3A_158 = arith.constant 0 : i32
      %dma_wait3A_159 = arith.constant 0 : i32
      %dma_wait3A_160 = tpu.memref_slice %arg8[%dma_wait3A_158, %dma_wait3A_159] : memref<128x129xf32, #tpu.memory_space<vmem>> -> memref<128x128xf32, #tpu.memory_space<vmem>>
      %dma_wait3A_161 = arith.constant 0 : i32
      %dma_wait3A_162 = arith.constant 0 : i32
      %dma_wait3A_163 = tpu.memref_slice %arg3[%dma_wait3A_161, %dma_wait3A_162] : memref<500224x128xf32, #tpu.memory_space<hbm>> -> memref<500224x128xf32, #tpu.memory_space<hbm>>
      tpu.wait_indirect_dma semaphore(%arg12 : memref<!tpu.dma_semaphore, #tpu.memory_space<semaphore_mem>>) src(%dma_wait3A_163 : memref<500224x128xf32, #tpu.memory_space<hbm>>) dst(%dma_wait3A_160 : memref<128x128xf32, #tpu.memory_space<vmem>>)
      %add3A_164 = arith.constant 1 : i32
      %add3A_165 = arith.addi %add3A_157, %add3A_164 : i32
      %min3A_166 = arith.constant 79 : i32
      %min3A_167 = arith.minsi %add3A_165, %min3A_166 : i32
      %get3A_168 = arith.index_cast %min3A_167 : i32 to index
      %get3A_169 = arith.constant 0 : index
      %get3A_170 = tpu.vector_load %arg5[%get3A_168, %get3A_169] {strides = array<i32>} : memref<80x128xi32, #tpu.memory_space<vmem>>, vector<16xi32>,
      %ge3A_171 = arith.constant 500224 : i32
      %ge3A_172 = vector.broadcast %ge3A_171 : i32 to vector<16xi32>
      %ge3A_173 = arith.cmpi sge, %get3A_170, %ge3A_172 : vector<16xi32>
      %sub3A_174 = arith.constant 500224 : i32
      %sub3A_175 = vector.broadcast %sub3A_174 : i32 to vector<16xi32>
      %sub3A_176 = arith.subi %get3A_170, %sub3A_175 : vector<16xi32>
      %select_n3A_177 = arith.select %ge3A_173, %sub3A_176, %get3A_170 : vector<16xi1>, vector<16xi32>
      %swap3A_178 = arith.constant 0 : index
      %swap3A_179 = tpu.vector_load %arg7[%swap3A_178] {strides = array<i32>} : memref<128xi32, #tpu.memory_space<vmem>>, vector<16xi32>,
      tpu.vector_store %arg7[%swap3A_178], %select_n3A_177 {strides = array<i32>} : memref<128xi32, #tpu.memory_space<vmem>>, vector<16xi32>,
      %get3A_180 = arith.index_cast %min3A_167 : i32 to index
      %get3A_181 = arith.constant 16 : index
      %get3A_182 = tpu.vector_load %arg5[%get3A_180, %get3A_181] {strides = array<i32>} : memref<80x128xi32, #tpu.memory_space<vmem>>, vector<16xi32>,
      %ge3A_183 = arith.constant 500224 : i32
      %ge3A_184 = vector.broadcast %ge3A_183 : i32 to vector<16xi32>
      %ge3A_185 = arith.cmpi sge, %get3A_182, %ge3A_184 : vector<16xi32>
      %sub3A_186 = arith.constant 500224 : i32
      %sub3A_187 = vector.broadcast %sub3A_186 : i32 to vector<16xi32>
      %sub3A_188 = arith.subi %get3A_182, %sub3A_187 : vector<16xi32>
      %select_n3A_189 = arith.select %ge3A_185, %sub3A_188, %get3A_182 : vector<16xi1>, vector<16xi32>
      %swap3A_190 = arith.constant 16 : index
      %swap3A_191 = tpu.vector_load %arg7[%swap3A_190] {strides = array<i32>} : memref<128xi32, #tpu.memory_space<vmem>>, vector<16xi32>,
      tpu.vector_store %arg7[%swap3A_190], %select_n3A_189 {strides = array<i32>} : memref<128xi32, #tpu.memory_space<vmem>>, vector<16xi32>,
      %get3A_192 = arith.index_cast %min3A_167 : i32 to index
      %get3A_193 = arith.constant 32 : index
      %get3A_194 = tpu.vector_load %arg5[%get3A_192, %get3A_193] {strides = array<i32>} : memref<80x128xi32, #tpu.memory_space<vmem>>, vector<16xi32>,
      %ge3A_195 = arith.constant 500224 : i32
      %ge3A_196 = vector.broadcast %ge3A_195 : i32 to vector<16xi32>
      %ge3A_197 = arith.cmpi sge, %get3A_194, %ge3A_196 : vector<16xi32>
      %sub3A_198 = arith.constant 500224 : i32
      %sub3A_199 = vector.broadcast %sub3A_198 : i32 to vector<16xi32>
      %sub3A_200 = arith.subi %get3A_194, %sub3A_199 : vector<16xi32>
      %select_n3A_201 = arith.select %ge3A_197, %sub3A_200, %get3A_194 : vector<16xi1>, vector<16xi32>
      %swap3A_202 = arith.constant 32 : index
      %swap3A_203 = tpu.vector_load %arg7[%swap3A_202] {strides = array<i32>} : memref<128xi32, #tpu.memory_space<vmem>>, vector<16xi32>,
      tpu.vector_store %arg7[%swap3A_202], %select_n3A_201 {strides = array<i32>} : memref<128xi32, #tpu.memory_space<vmem>>, vector<16xi32>,
      %get3A_204 = arith.index_cast %min3A_167 : i32 to index
      %get3A_205 = arith.constant 48 : index
      %get3A_206 = tpu.vector_load %arg5[%get3A_204, %get3A_205] {strides = array<i32>} : memref<80x128xi32, #tpu.memory_space<vmem>>, vector<16xi32>,
      %ge3A_207 = arith.constant 500224 : i32
      %ge3A_208 = vector.broadcast %ge3A_207 : i32 to vector<16xi32>
      %ge3A_209 = arith.cmpi sge, %get3A_206, %ge3A_208 : vector<16xi32>
      %sub3A_210 = arith.constant 500224 : i32
      %sub3A_211 = vector.broadcast %sub3A_210 : i32 to vector<16xi32>
      %sub3A_212 = arith.subi %get3A_206, %sub3A_211 : vector<16xi32>
      %select_n3A_213 = arith.select %ge3A_209, %sub3A_212, %get3A_206 : vector<16xi1>, vector<16xi32>
      %swap3A_214 = arith.constant 48 : index
      %swap3A_215 = tpu.vector_load %arg7[%swap3A_214] {strides = array<i32>} : memref<128xi32, #tpu.memory_space<vmem>>, vector<16xi32>,
      tpu.vector_store %arg7[%swap3A_214], %select_n3A_213 {strides = array<i32>} : memref<128xi32, #tpu.memory_space<vmem>>, vector<16xi32>,
      %get3A_216 = arith.index_cast %min3A_167 : i32 to index
      %get3A_217 = arith.constant 64 : index
      %get3A_218 = tpu.vector_load %arg5[%get3A_216, %get3A_217] {strides = array<i32>} : memref<80x128xi32, #tpu.memory_space<vmem>>, vector<16xi32>,
      %ge3A_219 = arith.constant 500224 : i32
      %ge3A_220 = vector.broadcast %ge3A_219 : i32 to vector<16xi32>
      %ge3A_221 = arith.cmpi sge, %get3A_218, %ge3A_220 : vector<16xi32>
      %sub3A_222 = arith.constant 500224 : i32
      %sub3A_223 = vector.broadcast %sub3A_222 : i32 to vector<16xi32>
      %sub3A_224 = arith.subi %get3A_218, %sub3A_223 : vector<16xi32>
      %select_n3A_225 = arith.select %ge3A_221, %sub3A_224, %get3A_218 : vector<16xi1>, vector<16xi32>
      %swap3A_226 = arith.constant 64 : index
      %swap3A_227 = tpu.vector_load %arg7[%swap3A_226] {strides = array<i32>} : memref<128xi32, #tpu.memory_space<vmem>>, vector<16xi32>,
      tpu.vector_store %arg7[%swap3A_226], %select_n3A_225 {strides = array<i32>} : memref<128xi32, #tpu.memory_space<vmem>>, vector<16xi32>,
      %get3A_228 = arith.index_cast %min3A_167 : i32 to index
      %get3A_229 = arith.constant 80 : index
      %get3A_230 = tpu.vector_load %arg5[%get3A_228, %get3A_229] {strides = array<i32>} : memref<80x128xi32, #tpu.memory_space<vmem>>, vector<16xi32>,
      %ge3A_231 = arith.constant 500224 : i32
      %ge3A_232 = vector.broadcast %ge3A_231 : i32 to vector<16xi32>
      %ge3A_233 = arith.cmpi sge, %get3A_230, %ge3A_232 : vector<16xi32>
      %sub3A_234 = arith.constant 500224 : i32
      %sub3A_235 = vector.broadcast %sub3A_234 : i32 to vector<16xi32>
      %sub3A_236 = arith.subi %get3A_230, %sub3A_235 : vector<16xi32>
      %select_n3A_237 = arith.select %ge3A_233, %sub3A_236, %get3A_230 : vector<16xi1>, vector<16xi32>
      %swap3A_238 = arith.constant 80 : index
      %swap3A_239 = tpu.vector_load %arg7[%swap3A_238] {strides = array<i32>} : memref<128xi32, #tpu.memory_space<vmem>>, vector<16xi32>,
      tpu.vector_store %arg7[%swap3A_238], %select_n3A_237 {strides = array<i32>} : memref<128xi32, #tpu.memory_space<vmem>>, vector<16xi32>,
      %get3A_240 = arith.index_cast %min3A_167 : i32 to index
      %get3A_241 = arith.constant 96 : index
      %get3A_242 = tpu.vector_load %arg5[%get3A_240, %get3A_241] {strides = array<i32>} : memref<80x128xi32, #tpu.memory_space<vmem>>, vector<16xi32>,
      %ge3A_243 = arith.constant 500224 : i32
      %ge3A_244 = vector.broadcast %ge3A_243 : i32 to vector<16xi32>
      %ge3A_245 = arith.cmpi sge, %get3A_242, %ge3A_244 : vector<16xi32>
      %sub3A_246 = arith.constant 500224 : i32
      %sub3A_247 = vector.broadcast %sub3A_246 : i32 to vector<16xi32>
      %sub3A_248 = arith.subi %get3A_242, %sub3A_247 : vector<16xi32>
      %select_n3A_249 = arith.select %ge3A_245, %sub3A_248, %get3A_242 : vector<16xi1>, vector<16xi32>
      %swap3A_250 = arith.constant 96 : index
      %swap3A_251 = tpu.vector_load %arg7[%swap3A_250] {strides = array<i32>} : memref<128xi32, #tpu.memory_space<vmem>>, vector<16xi32>,
      tpu.vector_store %arg7[%swap3A_250], %select_n3A_249 {strides = array<i32>} : memref<128xi32, #tpu.memory_space<vmem>>, vector<16xi32>,
      %get3A_252 = arith.index_cast %min3A_167 : i32 to index
      %get3A_253 = arith.constant 112 : index
      %get3A_254 = tpu.vector_load %arg5[%get3A_252, %get3A_253] {strides = array<i32>} : memref<80x128xi32, #tpu.memory_space<vmem>>, vector<16xi32>,
      %ge3A_255 = arith.constant 500224 : i32
      %ge3A_256 = vector.broadcast %ge3A_255 : i32 to vector<16xi32>
      %ge3A_257 = arith.cmpi sge, %get3A_254, %ge3A_256 : vector<16xi32>
      %sub3A_258 = arith.constant 500224 : i32
      %sub3A_259 = vector.broadcast %sub3A_258 : i32 to vector<16xi32>
      %sub3A_260 = arith.subi %get3A_254, %sub3A_259 : vector<16xi32>
      %select_n3A_261 = arith.select %ge3A_257, %sub3A_260, %get3A_254 : vector<16xi1>, vector<16xi32>
      %swap3A_262 = arith.constant 112 : index
      %swap3A_263 = tpu.vector_load %arg7[%swap3A_262] {strides = array<i32>} : memref<128xi32, #tpu.memory_space<vmem>>, vector<16xi32>,
      tpu.vector_store %arg7[%swap3A_262], %select_n3A_261 {strides = array<i32>} : memref<128xi32, #tpu.memory_space<vmem>>, vector<16xi32>,
      %dma_start3A_264 = arith.constant 0 : i32
      %dma_start3A_265 = arith.constant 0 : i32
      %dma_start3A_266 = tpu.memref_slice %arg9[%dma_start3A_264, %dma_start3A_265] : memref<128x129xf32, #tpu.memory_space<vmem>> -> memref<128x128xf32, #tpu.memory_space<vmem>>
      %dma_start3A_267 = arith.constant 0 : i32
      %dma_start3A_268 = arith.constant 0 : i32
      %dma_start3A_269 = tpu.memref_slice %arg3[%dma_start3A_267, %dma_start3A_268] : memref<500224x128xf32, #tpu.memory_space<hbm>> -> memref<500224x128xf32, #tpu.memory_space<hbm>>
      tpu.enqueue_indirect_dma source(%dma_start3A_269 : memref<500224x128xf32, #tpu.memory_space<hbm>>) target(%dma_start3A_266 : memref<128x128xf32, #tpu.memory_space<vmem>>) offsets(%arg7 : memref<128xi32, #tpu.memory_space<vmem>>) semaphore(%arg12 : memref<!tpu.dma_semaphore, #tpu.memory_space<semaphore_mem>>)
      %ge3A_270 = arith.constant 2 : i32
      %ge3A_271 = arith.cmpi sge, %add3A_157, %ge3A_270 : i32
      %convert_element_type3A = arith.extui %ge3A_271 : i1 to i32
      %cond3A = arith.constant 0 : i32
      %cond3A_272 = arith.cmpi ne, %convert_element_type3A, %cond3A : i32
      scf.if %cond3A_272 {
        %dma_wait3A_664 = arith.constant 0 : i32
        %dma_wait3A_665 = arith.constant 0 : i32
        %dma_wait3A_666 = arith.constant 0 : i32
        %dma_wait3A_667 = tpu.memref_slice %arg4[%dma_wait3A_664, %dma_wait3A_665, %dma_wait3A_666] : memref<20x64x16384xf32, #tpu.memory_space<hbm>> -> memref<1x64x128xf32, #tpu.memory_space<hbm>>
        %dma_wait3A_668 = tpu.memref_squeeze %dma_wait3A_667 : memref<1x64x128xf32, #tpu.memory_space<hbm>> -> memref<64x128xf32, #tpu.memory_space<hbm>>
        %dma_wait3A_669 = arith.constant 0 : i32
        %dma_wait3A_670 = arith.constant 0 : i32
        %dma_wait3A_671 = tpu.memref_slice %arg4[%dma_wait3A_664, %dma_wait3A_669, %dma_wait3A_670] : memref<20x64x16384xf32, #tpu.memory_space<hbm>> -> memref<1x64x128xf32, #tpu.memory_space<hbm>>
        %dma_wait3A_672 = tpu.memref_squeeze %dma_wait3A_671 : memref<1x64x128xf32, #tpu.memory_space<hbm>> -> memref<64x128xf32, #tpu.memory_space<hbm>>
        tpu.wait_dma2 semaphore(%arg13 : memref<!tpu.dma_semaphore, #tpu.memory_space<semaphore_mem>>) src(%arg10 : memref<64x128xf32, #tpu.memory_space<vmem>>) dst(%dma_wait3A_672 : memref<64x128xf32, #tpu.memory_space<hbm>>)
      } else {
      }
      %get3A_273 = arith.index_cast %add3A_157 : i32 to index
      %get3A_274 = arith.constant 0 : index
      %get3A_275 = tpu.vector_load %arg5[%get3A_273, %get3A_274] {strides = array<i32>} : memref<80x128xi32, #tpu.memory_space<vmem>>, vector<16xi32>,
      %ge3A_276 = arith.constant 500224 : i32
      %ge3A_277 = vector.broadcast %ge3A_276 : i32 to vector<16xi32>
      %ge3A_278 = arith.cmpi sge, %get3A_275, %ge3A_277 : vector<16xi32>
      %jit3A = arith.constant 64 : i32
      %jit3A_279 = arith.constant 0 : i32
      %broadcast_in_dim3A = vector.broadcast %jit3A : i32 to vector<16xi32>
      %broadcast_in_dim3A_280 = vector.broadcast %jit3A_279 : i32 to vector<16xi32>
      %select_n3A_281 = arith.select %ge3A_278, %broadcast_in_dim3A, %broadcast_in_dim3A_280 : vector<16xi1>, vector<16xi32>
      %get3A_282 = arith.index_cast %add3A_157 : i32 to index
      %get3A_283 = arith.constant 16 : index
      %get3A_284 = tpu.vector_load %arg5[%get3A_282, %get3A_283] {strides = array<i32>} : memref<80x128xi32, #tpu.memory_space<vmem>>, vector<16xi32>,
      %ge3A_285 = arith.constant 500224 : i32
      %ge3A_286 = vector.broadcast %ge3A_285 : i32 to vector<16xi32>
      %ge3A_287 = arith.cmpi sge, %get3A_284, %ge3A_286 : vector<16xi32>
      %jit3A_288 = arith.constant 64 : i32
      %jit3A_289 = arith.constant 0 : i32
      %broadcast_in_dim3A_290 = vector.broadcast %jit3A_288 : i32 to vector<16xi32>
      %broadcast_in_dim3A_291 = vector.broadcast %jit3A_289 : i32 to vector<16xi32>
      %select_n3A_292 = arith.select %ge3A_287, %broadcast_in_dim3A_290, %broadcast_in_dim3A_291 : vector<16xi1>, vector<16xi32>
      %get3A_293 = arith.index_cast %add3A_157 : i32 to index
      %get3A_294 = arith.constant 32 : index
      %get3A_295 = tpu.vector_load %arg5[%get3A_293, %get3A_294] {strides = array<i32>} : memref<80x128xi32, #tpu.memory_space<vmem>>, vector<16xi32>,
      %ge3A_296 = arith.constant 500224 : i32
      %ge3A_297 = vector.broadcast %ge3A_296 : i32 to vector<16xi32>
      %ge3A_298 = arith.cmpi sge, %get3A_295, %ge3A_297 : vector<16xi32>
      %jit3A_299 = arith.constant 64 : i32
      %jit3A_300 = arith.constant 0 : i32
      %broadcast_in_dim3A_301 = vector.broadcast %jit3A_299 : i32 to vector<16xi32>
      %broadcast_in_dim3A_302 = vector.broadcast %jit3A_300 : i32 to vector<16xi32>
      %select_n3A_303 = arith.select %ge3A_298, %broadcast_in_dim3A_301, %broadcast_in_dim3A_302 : vector<16xi1>, vector<16xi32>
      %get3A_304 = arith.index_cast %add3A_157 : i32 to index
      %get3A_305 = arith.constant 48 : index
      %get3A_306 = tpu.vector_load %arg5[%get3A_304, %get3A_305] {strides = array<i32>} : memref<80x128xi32, #tpu.memory_space<vmem>>, vector<16xi32>,
      %ge3A_307 = arith.constant 500224 : i32
      %ge3A_308 = vector.broadcast %ge3A_307 : i32 to vector<16xi32>
      %ge3A_309 = arith.cmpi sge, %get3A_306, %ge3A_308 : vector<16xi32>
      %jit3A_310 = arith.constant 64 : i32
      %jit3A_311 = arith.constant 0 : i32
      %broadcast_in_dim3A_312 = vector.broadcast %jit3A_310 : i32 to vector<16xi32>
      %broadcast_in_dim3A_313 = vector.broadcast %jit3A_311 : i32 to vector<16xi32>
      %select_n3A_314 = arith.select %ge3A_309, %broadcast_in_dim3A_312, %broadcast_in_dim3A_313 : vector<16xi1>, vector<16xi32>
      %get3A_315 = arith.index_cast %add3A_157 : i32 to index
      %get3A_316 = arith.constant 64 : index
      %get3A_317 = tpu.vector_load %arg5[%get3A_315, %get3A_316] {strides = array<i32>} : memref<80x128xi32, #tpu.memory_space<vmem>>, vector<16xi32>,
      %ge3A_318 = arith.constant 500224 : i32
      %ge3A_319 = vector.broadcast %ge3A_318 : i32 to vector<16xi32>
      %ge3A_320 = arith.cmpi sge, %get3A_317, %ge3A_319 : vector<16xi32>
      %jit3A_321 = arith.constant 64 : i32
      %jit3A_322 = arith.constant 0 : i32
      %broadcast_in_dim3A_323 = vector.broadcast %jit3A_321 : i32 to vector<16xi32>
      %broadcast_in_dim3A_324 = vector.broadcast %jit3A_322 : i32 to vector<16xi32>
      %select_n3A_325 = arith.select %ge3A_320, %broadcast_in_dim3A_323, %broadcast_in_dim3A_324 : vector<16xi1>, vector<16xi32>
      %get3A_326 = arith.index_cast %add3A_157 : i32 to index
      %get3A_327 = arith.constant 80 : index
      %get3A_328 = tpu.vector_load %arg5[%get3A_326, %get3A_327] {strides = array<i32>} : memref<80x128xi32, #tpu.memory_space<vmem>>, vector<16xi32>,
      %ge3A_329 = arith.constant 500224 : i32
      %ge3A_330 = vector.broadcast %ge3A_329 : i32 to vector<16xi32>
      %ge3A_331 = arith.cmpi sge, %get3A_328, %ge3A_330 : vector<16xi32>
      %jit3A_332 = arith.constant 64 : i32
      %jit3A_333 = arith.constant 0 : i32
      %broadcast_in_dim3A_334 = vector.broadcast %jit3A_332 : i32 to vector<16xi32>
      %broadcast_in_dim3A_335 = vector.broadcast %jit3A_333 : i32 to vector<16xi32>
      %select_n3A_336 = arith.select %ge3A_331, %broadcast_in_dim3A_334, %broadcast_in_dim3A_335 : vector<16xi1>, vector<16xi32>
      %get3A_337 = arith.index_cast %add3A_157 : i32 to index
      %get3A_338 = arith.constant 96 : index
      %get3A_339 = tpu.vector_load %arg5[%get3A_337, %get3A_338] {strides = array<i32>} : memref<80x128xi32, #tpu.memory_space<vmem>>, vector<16xi32>,
      %ge3A_340 = arith.constant 500224 : i32
      %ge3A_341 = vector.broadcast %ge3A_340 : i32 to vector<16xi32>
      %ge3A_342 = arith.cmpi sge, %get3A_339, %ge3A_341 : vector<16xi32>
      %jit3A_343 = arith.constant 64 : i32
      %jit3A_344 = arith.constant 0 : i32
      %broadcast_in_dim3A_345 = vector.broadcast %jit3A_343 : i32 to vector<16xi32>
      %broadcast_in_dim3A_346 = vector.broadcast %jit3A_344 : i32 to vector<16xi32>
      %select_n3A_347 = arith.select %ge3A_342, %broadcast_in_dim3A_345, %broadcast_in_dim3A_346 : vector<16xi1>, vector<16xi32>
      %get3A_348 = arith.index_cast %add3A_157 : i32 to index
      %get3A_349 = arith.constant 112 : index
      %get3A_350 = tpu.vector_load %arg5[%get3A_348, %get3A_349] {strides = array<i32>} : memref<80x128xi32, #tpu.memory_space<vmem>>, vector<16xi32>,
      %ge3A_351 = arith.constant 500224 : i32
      %ge3A_352 = vector.broadcast %ge3A_351 : i32 to vector<16xi32>
      %ge3A_353 = arith.cmpi sge, %get3A_350, %ge3A_352 : vector<16xi32>
      %jit3A_354 = arith.constant 64 : i32
      %jit3A_355 = arith.constant 0 : i32
      %broadcast_in_dim3A_356 = vector.broadcast %jit3A_354 : i32 to vector<16xi32>
      %broadcast_in_dim3A_357 = vector.broadcast %jit3A_355 : i32 to vector<16xi32>
      %select_n3A_358 = arith.select %ge3A_353, %broadcast_in_dim3A_356, %broadcast_in_dim3A_357 : vector<16xi1>, vector<16xi32>
      %parallel_loop3A = arith.constant 0 : i32
      %parallel_loop3A_359 = arith.constant 64 : i32
      %parallel_loop3A_360 = arith.constant 1 : i32
      scf.for %parallel_loop3A_664 = %parallel_loop3A to %parallel_loop3A_359 step %parallel_loop3A_360  : i32 {
        %parallel_loop3A_665 = vector.broadcast %parallel_loop3A_664 : i32 to vector<16xi32>
        %parallel_loop3A_666 = arith.addi %select_n3A_281, %parallel_loop3A_665 : vector<16xi32>
        %parallel_loop3A_667 = tpu.vector_load_idx %arg8[%add3A_5, %parallel_loop3A_666] : memref<128x129xf32, #tpu.memory_space<vmem>>[vector<16xi32>, vector<16xi32>], vector<16xf32>,
        %parallel_loop3A_668 = arith.index_cast %parallel_loop3A_664 : i32 to index
        %parallel_loop3A_669 = arith.constant 0 : index
        %parallel_loop3A_670 = tpu.vector_load %arg10[%parallel_loop3A_668, %parallel_loop3A_669] {strides = array<i32>} : memref<64x128xf32, #tpu.memory_space<vmem>>, vector<16xf32>,
        tpu.vector_store %arg10[%parallel_loop3A_668, %parallel_loop3A_669], %parallel_loop3A_667 {strides = array<i32>} : memref<64x128xf32, #tpu.memory_space<vmem>>, vector<16xf32>,
        %parallel_loop3A_671 = vector.broadcast %parallel_loop3A_664 : i32 to vector<16xi32>
        %parallel_loop3A_672 = arith.addi %select_n3A_292, %parallel_loop3A_671 : vector<16xi32>
        %parallel_loop3A_673 = tpu.vector_load_idx %arg8[%add3A_8, %parallel_loop3A_672] : memref<128x129xf32, #tpu.memory_space<vmem>>[vector<16xi32>, vector<16xi32>], vector<16xf32>,
        %parallel_loop3A_674 = arith.index_cast %parallel_loop3A_664 : i32 to index
        %parallel_loop3A_675 = arith.constant 16 : index
        %parallel_loop3A_676 = tpu.vector_load %arg10[%parallel_loop3A_674, %parallel_loop3A_675] {strides = array<i32>} : memref<64x128xf32, #tpu.memory_space<vmem>>, vector<16xf32>,
        tpu.vector_store %arg10[%parallel_loop3A_674, %parallel_loop3A_675], %parallel_loop3A_673 {strides = array<i32>} : memref<64x128xf32, #tpu.memory_space<vmem>>, vector<16xf32>,
        %parallel_loop3A_677 = vector.broadcast %parallel_loop3A_664 : i32 to vector<16xi32>
        %parallel_loop3A_678 = arith.addi %select_n3A_303, %parallel_loop3A_677 : vector<16xi32>
        %parallel_loop3A_679 = tpu.vector_load_idx %arg8[%add3A_11, %parallel_loop3A_678] : memref<128x129xf32, #tpu.memory_space<vmem>>[vector<16xi32>, vector<16xi32>], vector<16xf32>,
        %parallel_loop3A_680 = arith.index_cast %parallel_loop3A_664 : i32 to index
        %parallel_loop3A_681 = arith.constant 32 : index
        %parallel_loop3A_682 = tpu.vector_load %arg10[%parallel_loop3A_680, %parallel_loop3A_681] {strides = array<i32>} : memref<64x128xf32, #tpu.memory_space<vmem>>, vector<16xf32>,
        tpu.vector_store %arg10[%parallel_loop3A_680, %parallel_loop3A_681], %parallel_loop3A_679 {strides = array<i32>} : memref<64x128xf32, #tpu.memory_space<vmem>>, vector<16xf32>,
        %parallel_loop3A_683 = vector.broadcast %parallel_loop3A_664 : i32 to vector<16xi32>
        %parallel_loop3A_684 = arith.addi %select_n3A_314, %parallel_loop3A_683 : vector<16xi32>
        %parallel_loop3A_685 = tpu.vector_load_idx %arg8[%add3A_14, %parallel_loop3A_684] : memref<128x129xf32, #tpu.memory_space<vmem>>[vector<16xi32>, vector<16xi32>], vector<16xf32>,
        %parallel_loop3A_686 = arith.index_cast %parallel_loop3A_664 : i32 to index
        %parallel_loop3A_687 = arith.constant 48 : index
        %parallel_loop3A_688 = tpu.vector_load %arg10[%parallel_loop3A_686, %parallel_loop3A_687] {strides = array<i32>} : memref<64x128xf32, #tpu.memory_space<vmem>>, vector<16xf32>,
        tpu.vector_store %arg10[%parallel_loop3A_686, %parallel_loop3A_687], %parallel_loop3A_685 {strides = array<i32>} : memref<64x128xf32, #tpu.memory_space<vmem>>, vector<16xf32>,
        %parallel_loop3A_689 = vector.broadcast %parallel_loop3A_664 : i32 to vector<16xi32>
        %parallel_loop3A_690 = arith.addi %select_n3A_325, %parallel_loop3A_689 : vector<16xi32>
        %parallel_loop3A_691 = tpu.vector_load_idx %arg8[%add3A_17, %parallel_loop3A_690] : memref<128x129xf32, #tpu.memory_space<vmem>>[vector<16xi32>, vector<16xi32>], vector<16xf32>,
        %parallel_loop3A_692 = arith.index_cast %parallel_loop3A_664 : i32 to index
        %parallel_loop3A_693 = arith.constant 64 : index
        %parallel_loop3A_694 = tpu.vector_load %arg10[%parallel_loop3A_692, %parallel_loop3A_693] {strides = array<i32>} : memref<64x128xf32, #tpu.memory_space<vmem>>, vector<16xf32>,
        tpu.vector_store %arg10[%parallel_loop3A_692, %parallel_loop3A_693], %parallel_loop3A_691 {strides = array<i32>} : memref<64x128xf32, #tpu.memory_space<vmem>>, vector<16xf32>,
        %parallel_loop3A_695 = vector.broadcast %parallel_loop3A_664 : i32 to vector<16xi32>
        %parallel_loop3A_696 = arith.addi %select_n3A_336, %parallel_loop3A_695 : vector<16xi32>
        %parallel_loop3A_697 = tpu.vector_load_idx %arg8[%add3A_20, %parallel_loop3A_696] : memref<128x129xf32, #tpu.memory_space<vmem>>[vector<16xi32>, vector<16xi32>], vector<16xf32>,
        %parallel_loop3A_698 = arith.index_cast %parallel_loop3A_664 : i32 to index
        %parallel_loop3A_699 = arith.constant 80 : index
        %parallel_loop3A_700 = tpu.vector_load %arg10[%parallel_loop3A_698, %parallel_loop3A_699] {strides = array<i32>} : memref<64x128xf32, #tpu.memory_space<vmem>>, vector<16xf32>,
        tpu.vector_store %arg10[%parallel_loop3A_698, %parallel_loop3A_699], %parallel_loop3A_697 {strides = array<i32>} : memref<64x128xf32, #tpu.memory_space<vmem>>, vector<16xf32>,
        %parallel_loop3A_701 = vector.broadcast %parallel_loop3A_664 : i32 to vector<16xi32>
        %parallel_loop3A_702 = arith.addi %select_n3A_347, %parallel_loop3A_701 : vector<16xi32>
        %parallel_loop3A_703 = tpu.vector_load_idx %arg8[%add3A_23, %parallel_loop3A_702] : memref<128x129xf32, #tpu.memory_space<vmem>>[vector<16xi32>, vector<16xi32>], vector<16xf32>,
        %parallel_loop3A_704 = arith.index_cast %parallel_loop3A_664 : i32 to index
        %parallel_loop3A_705 = arith.constant 96 : index
        %parallel_loop3A_706 = tpu.vector_load %arg10[%parallel_loop3A_704, %parallel_loop3A_705] {strides = array<i32>} : memref<64x128xf32, #tpu.memory_space<vmem>>, vector<16xf32>,
        tpu.vector_store %arg10[%parallel_loop3A_704, %parallel_loop3A_705], %parallel_loop3A_703 {strides = array<i32>} : memref<64x128xf32, #tpu.memory_space<vmem>>, vector<16xf32>,
        %parallel_loop3A_707 = vector.broadcast %parallel_loop3A_664 : i32 to vector<16xi32>
        %parallel_loop3A_708 = arith.addi %select_n3A_358, %parallel_loop3A_707 : vector<16xi32>
        %parallel_loop3A_709 = tpu.vector_load_idx %arg8[%add3A_26, %parallel_loop3A_708] : memref<128x129xf32, #tpu.memory_space<vmem>>[vector<16xi32>, vector<16xi32>], vector<16xf32>,
        %parallel_loop3A_710 = arith.index_cast %parallel_loop3A_664 : i32 to index
        %parallel_loop3A_711 = arith.constant 112 : index
        %parallel_loop3A_712 = tpu.vector_load %arg10[%parallel_loop3A_710, %parallel_loop3A_711] {strides = array<i32>} : memref<64x128xf32, #tpu.memory_space<vmem>>, vector<16xf32>,
        tpu.vector_store %arg10[%parallel_loop3A_710, %parallel_loop3A_711], %parallel_loop3A_709 {strides = array<i32>} : memref<64x128xf32, #tpu.memory_space<vmem>>, vector<16xf32>,
      } {sc.loop_unroll_factor = 4 : i64, sc.parallel_access}
      %add3A_361 = arith.addi %mul3A_2, %add3A_157 : i32
      %jit3A_362 = arith.constant 128 : i32
      %div3A = arith.divsi %add3A_361, %jit3A_362 : i32
      %sign3A = arith.constant 0 : i32
      %sign3A_363 = arith.cmpi sgt, %add3A_361, %sign3A : i32
      %sign3A_364 = arith.extui %sign3A_363 : i1 to i32
      %sign3A_365 = arith.constant 0 : i32
      %sign3A_366 = arith.cmpi slt, %add3A_361, %sign3A_365 : i32
      %sign3A_367 = arith.extui %sign3A_366 : i1 to i32
      %sign3A_368 = arith.subi %sign3A_364, %sign3A_367 : i32
      %sign3A_369 = arith.constant 0 : i32
      %sign3A_370 = arith.cmpi sgt, %jit3A_362, %sign3A_369 : i32
      %sign3A_371 = arith.extui %sign3A_370 : i1 to i32
      %sign3A_372 = arith.constant 0 : i32
      %sign3A_373 = arith.cmpi slt, %jit3A_362, %sign3A_372 : i32
      %sign3A_374 = arith.extui %sign3A_373 : i1 to i32
      %sign3A_375 = arith.subi %sign3A_371, %sign3A_374 : i32
      %ne3A = arith.cmpi ne, %sign3A_368, %sign3A_375 : i32
      %rem3A = arith.remsi %add3A_361, %jit3A_362 : i32
      %ne3A_376 = arith.constant 0 : i32
      %ne3A_377 = arith.cmpi ne, %rem3A, %ne3A_376 : i32
      %and3A = arith.andi %ne3A, %ne3A_377 : i1
      %sub3A_378 = arith.constant 1 : i32
      %sub3A_379 = arith.subi %div3A, %sub3A_378 : i32
      %select_n3A_380 = arith.select %and3A, %sub3A_379, %div3A : i32
      %jit3A_381 = arith.constant 128 : i32
      %eq3A = arith.constant 0 : i32
      %eq3A_382 = arith.cmpi eq, %jit3A_381, %eq3A : i32
      %jit3A_383 = arith.constant 1 : i32
      %select_n3A_384 = arith.select %eq3A_382, %jit3A_383, %jit3A_381 : i32
      %rem3A_385 = arith.remsi %add3A_361, %select_n3A_384 : i32
      %ne3A_386 = arith.constant 0 : i32
      %ne3A_387 = arith.cmpi ne, %rem3A_385, %ne3A_386 : i32
      %lt3A = arith.constant 0 : i32
      %lt3A_388 = arith.cmpi slt, %rem3A_385, %lt3A : i32
      %lt3A_389 = arith.constant 0 : i32
      %lt3A_390 = arith.cmpi slt, %select_n3A_384, %lt3A_389 : i32
      %ne3A_391 = arith.xori %lt3A_388, %lt3A_390 : i1
      %and3A_392 = arith.andi %ne3A_391, %ne3A_387 : i1
      %add3A_393 = arith.addi %rem3A_385, %select_n3A_384 : i32
      %select_n3A_394 = arith.select %and3A_392, %add3A_393, %rem3A_385 : i32
      %mul3A_395 = arith.constant 128 : i32
      %mul3A_396 = arith.muli %select_n3A_394, %mul3A_395 : i32
      %dma_start3A_397 = arith.constant 0 : i32
      %dma_start3A_398 = tpu.memref_slice %arg4[%select_n3A_380, %dma_start3A_397, %mul3A_396] : memref<20x64x16384xf32, #tpu.memory_space<hbm>> -> memref<1x64x128xf32, #tpu.memory_space<hbm>>
      %dma_start3A_399 = tpu.memref_squeeze %dma_start3A_398 : memref<1x64x128xf32, #tpu.memory_space<hbm>> -> memref<64x128xf32, #tpu.memory_space<hbm>>
      %dma_start3A_400 = arith.constant 0 : i32
      %dma_start3A_401 = tpu.memref_slice %arg4[%select_n3A_380, %dma_start3A_400, %mul3A_396] : memref<20x64x16384xf32, #tpu.memory_space<hbm>> -> memref<1x64x128xf32, #tpu.memory_space<hbm>>
      %dma_start3A_402 = tpu.memref_squeeze %dma_start3A_401 : memref<1x64x128xf32, #tpu.memory_space<hbm>> -> memref<64x128xf32, #tpu.memory_space<hbm>>
      tpu.enqueue_dma source(%arg10 : memref<64x128xf32, #tpu.memory_space<vmem>>) target(%dma_start3A_402 : memref<64x128xf32, #tpu.memory_space<hbm>>) target_semaphore(%arg13 : memref<!tpu.dma_semaphore, #tpu.memory_space<semaphore_mem>>)
      %mul3A_403 = arith.constant 2 : i32
      %mul3A_404 = arith.muli %scan3A_153, %mul3A_403 : i32
      %add3A_405 = arith.constant 1 : i32
      %add3A_406 = arith.addi %mul3A_404, %add3A_405 : i32
      %dma_wait3A_407 = arith.constant 0 : i32
      %dma_wait3A_408 = arith.constant 0 : i32
      %dma_wait3A_409 = tpu.memref_slice %arg9[%dma_wait3A_407, %dma_wait3A_408] : memref<128x129xf32, #tpu.memory_space<vmem>> -> memref<128x128xf32, #tpu.memory_space<vmem>>
      %dma_wait3A_410 = arith.constant 0 : i32
      %dma_wait3A_411 = arith.constant 0 : i32
      %dma_wait3A_412 = tpu.memref_slice %arg3[%dma_wait3A_410, %dma_wait3A_411] : memref<500224x128xf32, #tpu.memory_space<hbm>> -> memref<500224x128xf32, #tpu.memory_space<hbm>>
      tpu.wait_indirect_dma semaphore(%arg12 : memref<!tpu.dma_semaphore, #tpu.memory_space<semaphore_mem>>) src(%dma_wait3A_412 : memref<500224x128xf32, #tpu.memory_space<hbm>>) dst(%dma_wait3A_409 : memref<128x128xf32, #tpu.memory_space<vmem>>)
      %add3A_413 = arith.constant 1 : i32
      %add3A_414 = arith.addi %add3A_406, %add3A_413 : i32
      %min3A_415 = arith.constant 79 : i32
      %min3A_416 = arith.minsi %add3A_414, %min3A_415 : i32
      %get3A_417 = arith.index_cast %min3A_416 : i32 to index
      %get3A_418 = arith.constant 0 : index
      %get3A_419 = tpu.vector_load %arg5[%get3A_417, %get3A_418] {strides = array<i32>} : memref<80x128xi32, #tpu.memory_space<vmem>>, vector<16xi32>,
      %ge3A_420 = arith.constant 500224 : i32
      %ge3A_421 = vector.broadcast %ge3A_420 : i32 to vector<16xi32>
      %ge3A_422 = arith.cmpi sge, %get3A_419, %ge3A_421 : vector<16xi32>
      %sub3A_423 = arith.constant 500224 : i32
      %sub3A_424 = vector.broadcast %sub3A_423 : i32 to vector<16xi32>
      %sub3A_425 = arith.subi %get3A_419, %sub3A_424 : vector<16xi32>
      %select_n3A_426 = arith.select %ge3A_422, %sub3A_425, %get3A_419 : vector<16xi1>, vector<16xi32>
      %swap3A_427 = arith.constant 0 : index
      %swap3A_428 = tpu.vector_load %arg6[%swap3A_427] {strides = array<i32>} : memref<128xi32, #tpu.memory_space<vmem>>, vector<16xi32>,
      tpu.vector_store %arg6[%swap3A_427], %select_n3A_426 {strides = array<i32>} : memref<128xi32, #tpu.memory_space<vmem>>, vector<16xi32>,
      %get3A_429 = arith.index_cast %min3A_416 : i32 to index
      %get3A_430 = arith.constant 16 : index
      %get3A_431 = tpu.vector_load %arg5[%get3A_429, %get3A_430] {strides = array<i32>} : memref<80x128xi32, #tpu.memory_space<vmem>>, vector<16xi32>,
      %ge3A_432 = arith.constant 500224 : i32
      %ge3A_433 = vector.broadcast %ge3A_432 : i32 to vector<16xi32>
      %ge3A_434 = arith.cmpi sge, %get3A_431, %ge3A_433 : vector<16xi32>
      %sub3A_435 = arith.constant 500224 : i32
      %sub3A_436 = vector.broadcast %sub3A_435 : i32 to vector<16xi32>
      %sub3A_437 = arith.subi %get3A_431, %sub3A_436 : vector<16xi32>
      %select_n3A_438 = arith.select %ge3A_434, %sub3A_437, %get3A_431 : vector<16xi1>, vector<16xi32>
      %swap3A_439 = arith.constant 16 : index
      %swap3A_440 = tpu.vector_load %arg6[%swap3A_439] {strides = array<i32>} : memref<128xi32, #tpu.memory_space<vmem>>, vector<16xi32>,
      tpu.vector_store %arg6[%swap3A_439], %select_n3A_438 {strides = array<i32>} : memref<128xi32, #tpu.memory_space<vmem>>, vector<16xi32>,
      %get3A_441 = arith.index_cast %min3A_416 : i32 to index
      %get3A_442 = arith.constant 32 : index
      %get3A_443 = tpu.vector_load %arg5[%get3A_441, %get3A_442] {strides = array<i32>} : memref<80x128xi32, #tpu.memory_space<vmem>>, vector<16xi32>,
      %ge3A_444 = arith.constant 500224 : i32
      %ge3A_445 = vector.broadcast %ge3A_444 : i32 to vector<16xi32>
      %ge3A_446 = arith.cmpi sge, %get3A_443, %ge3A_445 : vector<16xi32>
      %sub3A_447 = arith.constant 500224 : i32
      %sub3A_448 = vector.broadcast %sub3A_447 : i32 to vector<16xi32>
      %sub3A_449 = arith.subi %get3A_443, %sub3A_448 : vector<16xi32>
      %select_n3A_450 = arith.select %ge3A_446, %sub3A_449, %get3A_443 : vector<16xi1>, vector<16xi32>
      %swap3A_451 = arith.constant 32 : index
      %swap3A_452 = tpu.vector_load %arg6[%swap3A_451] {strides = array<i32>} : memref<128xi32, #tpu.memory_space<vmem>>, vector<16xi32>,
      tpu.vector_store %arg6[%swap3A_451], %select_n3A_450 {strides = array<i32>} : memref<128xi32, #tpu.memory_space<vmem>>, vector<16xi32>,
      %get3A_453 = arith.index_cast %min3A_416 : i32 to index
      %get3A_454 = arith.constant 48 : index
      %get3A_455 = tpu.vector_load %arg5[%get3A_453, %get3A_454] {strides = array<i32>} : memref<80x128xi32, #tpu.memory_space<vmem>>, vector<16xi32>,
      %ge3A_456 = arith.constant 500224 : i32
      %ge3A_457 = vector.broadcast %ge3A_456 : i32 to vector<16xi32>
      %ge3A_458 = arith.cmpi sge, %get3A_455, %ge3A_457 : vector<16xi32>
      %sub3A_459 = arith.constant 500224 : i32
      %sub3A_460 = vector.broadcast %sub3A_459 : i32 to vector<16xi32>
      %sub3A_461 = arith.subi %get3A_455, %sub3A_460 : vector<16xi32>
      %select_n3A_462 = arith.select %ge3A_458, %sub3A_461, %get3A_455 : vector<16xi1>, vector<16xi32>
      %swap3A_463 = arith.constant 48 : index
      %swap3A_464 = tpu.vector_load %arg6[%swap3A_463] {strides = array<i32>} : memref<128xi32, #tpu.memory_space<vmem>>, vector<16xi32>,
      tpu.vector_store %arg6[%swap3A_463], %select_n3A_462 {strides = array<i32>} : memref<128xi32, #tpu.memory_space<vmem>>, vector<16xi32>,
      %get3A_465 = arith.index_cast %min3A_416 : i32 to index
      %get3A_466 = arith.constant 64 : index
      %get3A_467 = tpu.vector_load %arg5[%get3A_465, %get3A_466] {strides = array<i32>} : memref<80x128xi32, #tpu.memory_space<vmem>>, vector<16xi32>,
      %ge3A_468 = arith.constant 500224 : i32
      %ge3A_469 = vector.broadcast %ge3A_468 : i32 to vector<16xi32>
      %ge3A_470 = arith.cmpi sge, %get3A_467, %ge3A_469 : vector<16xi32>
      %sub3A_471 = arith.constant 500224 : i32
      %sub3A_472 = vector.broadcast %sub3A_471 : i32 to vector<16xi32>
      %sub3A_473 = arith.subi %get3A_467, %sub3A_472 : vector<16xi32>
      %select_n3A_474 = arith.select %ge3A_470, %sub3A_473, %get3A_467 : vector<16xi1>, vector<16xi32>
      %swap3A_475 = arith.constant 64 : index
      %swap3A_476 = tpu.vector_load %arg6[%swap3A_475] {strides = array<i32>} : memref<128xi32, #tpu.memory_space<vmem>>, vector<16xi32>,
      tpu.vector_store %arg6[%swap3A_475], %select_n3A_474 {strides = array<i32>} : memref<128xi32, #tpu.memory_space<vmem>>, vector<16xi32>,
      %get3A_477 = arith.index_cast %min3A_416 : i32 to index
      %get3A_478 = arith.constant 80 : index
      %get3A_479 = tpu.vector_load %arg5[%get3A_477, %get3A_478] {strides = array<i32>} : memref<80x128xi32, #tpu.memory_space<vmem>>, vector<16xi32>,
      %ge3A_480 = arith.constant 500224 : i32
      %ge3A_481 = vector.broadcast %ge3A_480 : i32 to vector<16xi32>
      %ge3A_482 = arith.cmpi sge, %get3A_479, %ge3A_481 : vector<16xi32>
      %sub3A_483 = arith.constant 500224 : i32
      %sub3A_484 = vector.broadcast %sub3A_483 : i32 to vector<16xi32>
      %sub3A_485 = arith.subi %get3A_479, %sub3A_484 : vector<16xi32>
      %select_n3A_486 = arith.select %ge3A_482, %sub3A_485, %get3A_479 : vector<16xi1>, vector<16xi32>
      %swap3A_487 = arith.constant 80 : index
      %swap3A_488 = tpu.vector_load %arg6[%swap3A_487] {strides = array<i32>} : memref<128xi32, #tpu.memory_space<vmem>>, vector<16xi32>,
      tpu.vector_store %arg6[%swap3A_487], %select_n3A_486 {strides = array<i32>} : memref<128xi32, #tpu.memory_space<vmem>>, vector<16xi32>,
      %get3A_489 = arith.index_cast %min3A_416 : i32 to index
      %get3A_490 = arith.constant 96 : index
      %get3A_491 = tpu.vector_load %arg5[%get3A_489, %get3A_490] {strides = array<i32>} : memref<80x128xi32, #tpu.memory_space<vmem>>, vector<16xi32>,
      %ge3A_492 = arith.constant 500224 : i32
      %ge3A_493 = vector.broadcast %ge3A_492 : i32 to vector<16xi32>
      %ge3A_494 = arith.cmpi sge, %get3A_491, %ge3A_493 : vector<16xi32>
      %sub3A_495 = arith.constant 500224 : i32
      %sub3A_496 = vector.broadcast %sub3A_495 : i32 to vector<16xi32>
      %sub3A_497 = arith.subi %get3A_491, %sub3A_496 : vector<16xi32>
      %select_n3A_498 = arith.select %ge3A_494, %sub3A_497, %get3A_491 : vector<16xi1>, vector<16xi32>
      %swap3A_499 = arith.constant 96 : index
      %swap3A_500 = tpu.vector_load %arg6[%swap3A_499] {strides = array<i32>} : memref<128xi32, #tpu.memory_space<vmem>>, vector<16xi32>,
      tpu.vector_store %arg6[%swap3A_499], %select_n3A_498 {strides = array<i32>} : memref<128xi32, #tpu.memory_space<vmem>>, vector<16xi32>,
      %get3A_501 = arith.index_cast %min3A_416 : i32 to index
      %get3A_502 = arith.constant 112 : index
      %get3A_503 = tpu.vector_load %arg5[%get3A_501, %get3A_502] {strides = array<i32>} : memref<80x128xi32, #tpu.memory_space<vmem>>, vector<16xi32>,
      %ge3A_504 = arith.constant 500224 : i32
      %ge3A_505 = vector.broadcast %ge3A_504 : i32 to vector<16xi32>
      %ge3A_506 = arith.cmpi sge, %get3A_503, %ge3A_505 : vector<16xi32>
      %sub3A_507 = arith.constant 500224 : i32
      %sub3A_508 = vector.broadcast %sub3A_507 : i32 to vector<16xi32>
      %sub3A_509 = arith.subi %get3A_503, %sub3A_508 : vector<16xi32>
      %select_n3A_510 = arith.select %ge3A_506, %sub3A_509, %get3A_503 : vector<16xi1>, vector<16xi32>
      %swap3A_511 = arith.constant 112 : index
      %swap3A_512 = tpu.vector_load %arg6[%swap3A_511] {strides = array<i32>} : memref<128xi32, #tpu.memory_space<vmem>>, vector<16xi32>,
      tpu.vector_store %arg6[%swap3A_511], %select_n3A_510 {strides = array<i32>} : memref<128xi32, #tpu.memory_space<vmem>>, vector<16xi32>,
      %dma_start3A_513 = arith.constant 0 : i32
      %dma_start3A_514 = arith.constant 0 : i32
      %dma_start3A_515 = tpu.memref_slice %arg8[%dma_start3A_513, %dma_start3A_514] : memref<128x129xf32, #tpu.memory_space<vmem>> -> memref<128x128xf32, #tpu.memory_space<vmem>>
      %dma_start3A_516 = arith.constant 0 : i32
      %dma_start3A_517 = arith.constant 0 : i32
      %dma_start3A_518 = tpu.memref_slice %arg3[%dma_start3A_516, %dma_start3A_517] : memref<500224x128xf32, #tpu.memory_space<hbm>> -> memref<500224x128xf32, #tpu.memory_space<hbm>>
      tpu.enqueue_indirect_dma source(%dma_start3A_518 : memref<500224x128xf32, #tpu.memory_space<hbm>>) target(%dma_start3A_515 : memref<128x128xf32, #tpu.memory_space<vmem>>) offsets(%arg6 : memref<128xi32, #tpu.memory_space<vmem>>) semaphore(%arg12 : memref<!tpu.dma_semaphore, #tpu.memory_space<semaphore_mem>>)
      %ge3A_519 = arith.constant 2 : i32
      %ge3A_520 = arith.cmpi sge, %add3A_406, %ge3A_519 : i32
      %convert_element_type3A_521 = arith.extui %ge3A_520 : i1 to i32
      %cond3A_522 = arith.constant 0 : i32
      %cond3A_523 = arith.cmpi ne, %convert_element_type3A_521, %cond3A_522 : i32
      scf.if %cond3A_523 {
        %dma_wait3A_664 = arith.constant 0 : i32
        %dma_wait3A_665 = arith.constant 0 : i32
        %dma_wait3A_666 = arith.constant 0 : i32
        %dma_wait3A_667 = tpu.memref_slice %arg4[%dma_wait3A_664, %dma_wait3A_665, %dma_wait3A_666] : memref<20x64x16384xf32, #tpu.memory_space<hbm>> -> memref<1x64x128xf32, #tpu.memory_space<hbm>>
        %dma_wait3A_668 = tpu.memref_squeeze %dma_wait3A_667 : memref<1x64x128xf32, #tpu.memory_space<hbm>> -> memref<64x128xf32, #tpu.memory_space<hbm>>
        %dma_wait3A_669 = arith.constant 0 : i32
        %dma_wait3A_670 = arith.constant 0 : i32
        %dma_wait3A_671 = tpu.memref_slice %arg4[%dma_wait3A_664, %dma_wait3A_669, %dma_wait3A_670] : memref<20x64x16384xf32, #tpu.memory_space<hbm>> -> memref<1x64x128xf32, #tpu.memory_space<hbm>>
        %dma_wait3A_672 = tpu.memref_squeeze %dma_wait3A_671 : memref<1x64x128xf32, #tpu.memory_space<hbm>> -> memref<64x128xf32, #tpu.memory_space<hbm>>
        tpu.wait_dma2 semaphore(%arg13 : memref<!tpu.dma_semaphore, #tpu.memory_space<semaphore_mem>>) src(%arg11 : memref<64x128xf32, #tpu.memory_space<vmem>>) dst(%dma_wait3A_672 : memref<64x128xf32, #tpu.memory_space<hbm>>)
      } else {
      }
      %get3A_524 = arith.index_cast %add3A_406 : i32 to index
      %get3A_525 = arith.constant 0 : index
      %get3A_526 = tpu.vector_load %arg5[%get3A_524, %get3A_525] {strides = array<i32>} : memref<80x128xi32, #tpu.memory_space<vmem>>, vector<16xi32>,
      %ge3A_527 = arith.constant 500224 : i32
      %ge3A_528 = vector.broadcast %ge3A_527 : i32 to vector<16xi32>
      %ge3A_529 = arith.cmpi sge, %get3A_526, %ge3A_528 : vector<16xi32>
      %jit3A_530 = arith.constant 64 : i32
      %jit3A_531 = arith.constant 0 : i32
      %broadcast_in_dim3A_532 = vector.broadcast %jit3A_530 : i32 to vector<16xi32>
      %broadcast_in_dim3A_533 = vector.broadcast %jit3A_531 : i32 to vector<16xi32>
      %select_n3A_534 = arith.select %ge3A_529, %broadcast_in_dim3A_532, %broadcast_in_dim3A_533 : vector<16xi1>, vector<16xi32>
      %get3A_535 = arith.index_cast %add3A_406 : i32 to index
      %get3A_536 = arith.constant 16 : index
      %get3A_537 = tpu.vector_load %arg5[%get3A_535, %get3A_536] {strides = array<i32>} : memref<80x128xi32, #tpu.memory_space<vmem>>, vector<16xi32>,
      %ge3A_538 = arith.constant 500224 : i32
      %ge3A_539 = vector.broadcast %ge3A_538 : i32 to vector<16xi32>
      %ge3A_540 = arith.cmpi sge, %get3A_537, %ge3A_539 : vector<16xi32>
      %jit3A_541 = arith.constant 64 : i32
      %jit3A_542 = arith.constant 0 : i32
      %broadcast_in_dim3A_543 = vector.broadcast %jit3A_541 : i32 to vector<16xi32>
      %broadcast_in_dim3A_544 = vector.broadcast %jit3A_542 : i32 to vector<16xi32>
      %select_n3A_545 = arith.select %ge3A_540, %broadcast_in_dim3A_543, %broadcast_in_dim3A_544 : vector<16xi1>, vector<16xi32>
      %get3A_546 = arith.index_cast %add3A_406 : i32 to index
      %get3A_547 = arith.constant 32 : index
      %get3A_548 = tpu.vector_load %arg5[%get3A_546, %get3A_547] {strides = array<i32>} : memref<80x128xi32, #tpu.memory_space<vmem>>, vector<16xi32>,
      %ge3A_549 = arith.constant 500224 : i32
      %ge3A_550 = vector.broadcast %ge3A_549 : i32 to vector<16xi32>
      %ge3A_551 = arith.cmpi sge, %get3A_548, %ge3A_550 : vector<16xi32>
      %jit3A_552 = arith.constant 64 : i32
      %jit3A_553 = arith.constant 0 : i32
      %broadcast_in_dim3A_554 = vector.broadcast %jit3A_552 : i32 to vector<16xi32>
      %broadcast_in_dim3A_555 = vector.broadcast %jit3A_553 : i32 to vector<16xi32>
      %select_n3A_556 = arith.select %ge3A_551, %broadcast_in_dim3A_554, %broadcast_in_dim3A_555 : vector<16xi1>, vector<16xi32>
      %get3A_557 = arith.index_cast %add3A_406 : i32 to index
      %get3A_558 = arith.constant 48 : index
      %get3A_559 = tpu.vector_load %arg5[%get3A_557, %get3A_558] {strides = array<i32>} : memref<80x128xi32, #tpu.memory_space<vmem>>, vector<16xi32>,
      %ge3A_560 = arith.constant 500224 : i32
      %ge3A_561 = vector.broadcast %ge3A_560 : i32 to vector<16xi32>
      %ge3A_562 = arith.cmpi sge, %get3A_559, %ge3A_561 : vector<16xi32>
      %jit3A_563 = arith.constant 64 : i32
      %jit3A_564 = arith.constant 0 : i32
      %broadcast_in_dim3A_565 = vector.broadcast %jit3A_563 : i32 to vector<16xi32>
      %broadcast_in_dim3A_566 = vector.broadcast %jit3A_564 : i32 to vector<16xi32>
      %select_n3A_567 = arith.select %ge3A_562, %broadcast_in_dim3A_565, %broadcast_in_dim3A_566 : vector<16xi1>, vector<16xi32>
      %get3A_568 = arith.index_cast %add3A_406 : i32 to index
      %get3A_569 = arith.constant 64 : index
      %get3A_570 = tpu.vector_load %arg5[%get3A_568, %get3A_569] {strides = array<i32>} : memref<80x128xi32, #tpu.memory_space<vmem>>, vector<16xi32>,
      %ge3A_571 = arith.constant 500224 : i32
      %ge3A_572 = vector.broadcast %ge3A_571 : i32 to vector<16xi32>
      %ge3A_573 = arith.cmpi sge, %get3A_570, %ge3A_572 : vector<16xi32>
      %jit3A_574 = arith.constant 64 : i32
      %jit3A_575 = arith.constant 0 : i32
      %broadcast_in_dim3A_576 = vector.broadcast %jit3A_574 : i32 to vector<16xi32>
      %broadcast_in_dim3A_577 = vector.broadcast %jit3A_575 : i32 to vector<16xi32>
      %select_n3A_578 = arith.select %ge3A_573, %broadcast_in_dim3A_576, %broadcast_in_dim3A_577 : vector<16xi1>, vector<16xi32>
      %get3A_579 = arith.index_cast %add3A_406 : i32 to index
      %get3A_580 = arith.constant 80 : index
      %get3A_581 = tpu.vector_load %arg5[%get3A_579, %get3A_580] {strides = array<i32>} : memref<80x128xi32, #tpu.memory_space<vmem>>, vector<16xi32>,
      %ge3A_582 = arith.constant 500224 : i32
      %ge3A_583 = vector.broadcast %ge3A_582 : i32 to vector<16xi32>
      %ge3A_584 = arith.cmpi sge, %get3A_581, %ge3A_583 : vector<16xi32>
      %jit3A_585 = arith.constant 64 : i32
      %jit3A_586 = arith.constant 0 : i32
      %broadcast_in_dim3A_587 = vector.broadcast %jit3A_585 : i32 to vector<16xi32>
      %broadcast_in_dim3A_588 = vector.broadcast %jit3A_586 : i32 to vector<16xi32>
      %select_n3A_589 = arith.select %ge3A_584, %broadcast_in_dim3A_587, %broadcast_in_dim3A_588 : vector<16xi1>, vector<16xi32>
      %get3A_590 = arith.index_cast %add3A_406 : i32 to index
      %get3A_591 = arith.constant 96 : index
      %get3A_592 = tpu.vector_load %arg5[%get3A_590, %get3A_591] {strides = array<i32>} : memref<80x128xi32, #tpu.memory_space<vmem>>, vector<16xi32>,
      %ge3A_593 = arith.constant 500224 : i32
      %ge3A_594 = vector.broadcast %ge3A_593 : i32 to vector<16xi32>
      %ge3A_595 = arith.cmpi sge, %get3A_592, %ge3A_594 : vector<16xi32>
      %jit3A_596 = arith.constant 64 : i32
      %jit3A_597 = arith.constant 0 : i32
      %broadcast_in_dim3A_598 = vector.broadcast %jit3A_596 : i32 to vector<16xi32>
      %broadcast_in_dim3A_599 = vector.broadcast %jit3A_597 : i32 to vector<16xi32>
      %select_n3A_600 = arith.select %ge3A_595, %broadcast_in_dim3A_598, %broadcast_in_dim3A_599 : vector<16xi1>, vector<16xi32>
      %get3A_601 = arith.index_cast %add3A_406 : i32 to index
      %get3A_602 = arith.constant 112 : index
      %get3A_603 = tpu.vector_load %arg5[%get3A_601, %get3A_602] {strides = array<i32>} : memref<80x128xi32, #tpu.memory_space<vmem>>, vector<16xi32>,
      %ge3A_604 = arith.constant 500224 : i32
      %ge3A_605 = vector.broadcast %ge3A_604 : i32 to vector<16xi32>
      %ge3A_606 = arith.cmpi sge, %get3A_603, %ge3A_605 : vector<16xi32>
      %jit3A_607 = arith.constant 64 : i32
      %jit3A_608 = arith.constant 0 : i32
      %broadcast_in_dim3A_609 = vector.broadcast %jit3A_607 : i32 to vector<16xi32>
      %broadcast_in_dim3A_610 = vector.broadcast %jit3A_608 : i32 to vector<16xi32>
      %select_n3A_611 = arith.select %ge3A_606, %broadcast_in_dim3A_609, %broadcast_in_dim3A_610 : vector<16xi1>, vector<16xi32>
      %parallel_loop3A_612 = arith.constant 0 : i32
      %parallel_loop3A_613 = arith.constant 64 : i32
      %parallel_loop3A_614 = arith.constant 1 : i32
      scf.for %parallel_loop3A_664 = %parallel_loop3A_612 to %parallel_loop3A_613 step %parallel_loop3A_614  : i32 {
        %parallel_loop3A_665 = vector.broadcast %parallel_loop3A_664 : i32 to vector<16xi32>
        %parallel_loop3A_666 = arith.addi %select_n3A_534, %parallel_loop3A_665 : vector<16xi32>
        %parallel_loop3A_667 = tpu.vector_load_idx %arg9[%add3A_5, %parallel_loop3A_666] : memref<128x129xf32, #tpu.memory_space<vmem>>[vector<16xi32>, vector<16xi32>], vector<16xf32>,
        %parallel_loop3A_668 = arith.index_cast %parallel_loop3A_664 : i32 to index
        %parallel_loop3A_669 = arith.constant 0 : index
        %parallel_loop3A_670 = tpu.vector_load %arg11[%parallel_loop3A_668, %parallel_loop3A_669] {strides = array<i32>} : memref<64x128xf32, #tpu.memory_space<vmem>>, vector<16xf32>,
        tpu.vector_store %arg11[%parallel_loop3A_668, %parallel_loop3A_669], %parallel_loop3A_667 {strides = array<i32>} : memref<64x128xf32, #tpu.memory_space<vmem>>, vector<16xf32>,
        %parallel_loop3A_671 = vector.broadcast %parallel_loop3A_664 : i32 to vector<16xi32>
        %parallel_loop3A_672 = arith.addi %select_n3A_545, %parallel_loop3A_671 : vector<16xi32>
        %parallel_loop3A_673 = tpu.vector_load_idx %arg9[%add3A_8, %parallel_loop3A_672] : memref<128x129xf32, #tpu.memory_space<vmem>>[vector<16xi32>, vector<16xi32>], vector<16xf32>,
        %parallel_loop3A_674 = arith.index_cast %parallel_loop3A_664 : i32 to index
        %parallel_loop3A_675 = arith.constant 16 : index
        %parallel_loop3A_676 = tpu.vector_load %arg11[%parallel_loop3A_674, %parallel_loop3A_675] {strides = array<i32>} : memref<64x128xf32, #tpu.memory_space<vmem>>, vector<16xf32>,
        tpu.vector_store %arg11[%parallel_loop3A_674, %parallel_loop3A_675], %parallel_loop3A_673 {strides = array<i32>} : memref<64x128xf32, #tpu.memory_space<vmem>>, vector<16xf32>,
        %parallel_loop3A_677 = vector.broadcast %parallel_loop3A_664 : i32 to vector<16xi32>
        %parallel_loop3A_678 = arith.addi %select_n3A_556, %parallel_loop3A_677 : vector<16xi32>
        %parallel_loop3A_679 = tpu.vector_load_idx %arg9[%add3A_11, %parallel_loop3A_678] : memref<128x129xf32, #tpu.memory_space<vmem>>[vector<16xi32>, vector<16xi32>], vector<16xf32>,
        %parallel_loop3A_680 = arith.index_cast %parallel_loop3A_664 : i32 to index
        %parallel_loop3A_681 = arith.constant 32 : index
        %parallel_loop3A_682 = tpu.vector_load %arg11[%parallel_loop3A_680, %parallel_loop3A_681] {strides = array<i32>} : memref<64x128xf32, #tpu.memory_space<vmem>>, vector<16xf32>,
        tpu.vector_store %arg11[%parallel_loop3A_680, %parallel_loop3A_681], %parallel_loop3A_679 {strides = array<i32>} : memref<64x128xf32, #tpu.memory_space<vmem>>, vector<16xf32>,
        %parallel_loop3A_683 = vector.broadcast %parallel_loop3A_664 : i32 to vector<16xi32>
        %parallel_loop3A_684 = arith.addi %select_n3A_567, %parallel_loop3A_683 : vector<16xi32>
        %parallel_loop3A_685 = tpu.vector_load_idx %arg9[%add3A_14, %parallel_loop3A_684] : memref<128x129xf32, #tpu.memory_space<vmem>>[vector<16xi32>, vector<16xi32>], vector<16xf32>,
        %parallel_loop3A_686 = arith.index_cast %parallel_loop3A_664 : i32 to index
        %parallel_loop3A_687 = arith.constant 48 : index
        %parallel_loop3A_688 = tpu.vector_load %arg11[%parallel_loop3A_686, %parallel_loop3A_687] {strides = array<i32>} : memref<64x128xf32, #tpu.memory_space<vmem>>, vector<16xf32>,
        tpu.vector_store %arg11[%parallel_loop3A_686, %parallel_loop3A_687], %parallel_loop3A_685 {strides = array<i32>} : memref<64x128xf32, #tpu.memory_space<vmem>>, vector<16xf32>,
        %parallel_loop3A_689 = vector.broadcast %parallel_loop3A_664 : i32 to vector<16xi32>
        %parallel_loop3A_690 = arith.addi %select_n3A_578, %parallel_loop3A_689 : vector<16xi32>
        %parallel_loop3A_691 = tpu.vector_load_idx %arg9[%add3A_17, %parallel_loop3A_690] : memref<128x129xf32, #tpu.memory_space<vmem>>[vector<16xi32>, vector<16xi32>], vector<16xf32>,
        %parallel_loop3A_692 = arith.index_cast %parallel_loop3A_664 : i32 to index
        %parallel_loop3A_693 = arith.constant 64 : index
        %parallel_loop3A_694 = tpu.vector_load %arg11[%parallel_loop3A_692, %parallel_loop3A_693] {strides = array<i32>} : memref<64x128xf32, #tpu.memory_space<vmem>>, vector<16xf32>,
        tpu.vector_store %arg11[%parallel_loop3A_692, %parallel_loop3A_693], %parallel_loop3A_691 {strides = array<i32>} : memref<64x128xf32, #tpu.memory_space<vmem>>, vector<16xf32>,
        %parallel_loop3A_695 = vector.broadcast %parallel_loop3A_664 : i32 to vector<16xi32>
        %parallel_loop3A_696 = arith.addi %select_n3A_589, %parallel_loop3A_695 : vector<16xi32>
        %parallel_loop3A_697 = tpu.vector_load_idx %arg9[%add3A_20, %parallel_loop3A_696] : memref<128x129xf32, #tpu.memory_space<vmem>>[vector<16xi32>, vector<16xi32>], vector<16xf32>,
        %parallel_loop3A_698 = arith.index_cast %parallel_loop3A_664 : i32 to index
        %parallel_loop3A_699 = arith.constant 80 : index
        %parallel_loop3A_700 = tpu.vector_load %arg11[%parallel_loop3A_698, %parallel_loop3A_699] {strides = array<i32>} : memref<64x128xf32, #tpu.memory_space<vmem>>, vector<16xf32>,
        tpu.vector_store %arg11[%parallel_loop3A_698, %parallel_loop3A_699], %parallel_loop3A_697 {strides = array<i32>} : memref<64x128xf32, #tpu.memory_space<vmem>>, vector<16xf32>,
        %parallel_loop3A_701 = vector.broadcast %parallel_loop3A_664 : i32 to vector<16xi32>
        %parallel_loop3A_702 = arith.addi %select_n3A_600, %parallel_loop3A_701 : vector<16xi32>
        %parallel_loop3A_703 = tpu.vector_load_idx %arg9[%add3A_23, %parallel_loop3A_702] : memref<128x129xf32, #tpu.memory_space<vmem>>[vector<16xi32>, vector<16xi32>], vector<16xf32>,
        %parallel_loop3A_704 = arith.index_cast %parallel_loop3A_664 : i32 to index
        %parallel_loop3A_705 = arith.constant 96 : index
        %parallel_loop3A_706 = tpu.vector_load %arg11[%parallel_loop3A_704, %parallel_loop3A_705] {strides = array<i32>} : memref<64x128xf32, #tpu.memory_space<vmem>>, vector<16xf32>,
        tpu.vector_store %arg11[%parallel_loop3A_704, %parallel_loop3A_705], %parallel_loop3A_703 {strides = array<i32>} : memref<64x128xf32, #tpu.memory_space<vmem>>, vector<16xf32>,
        %parallel_loop3A_707 = vector.broadcast %parallel_loop3A_664 : i32 to vector<16xi32>
        %parallel_loop3A_708 = arith.addi %select_n3A_611, %parallel_loop3A_707 : vector<16xi32>
        %parallel_loop3A_709 = tpu.vector_load_idx %arg9[%add3A_26, %parallel_loop3A_708] : memref<128x129xf32, #tpu.memory_space<vmem>>[vector<16xi32>, vector<16xi32>], vector<16xf32>,
        %parallel_loop3A_710 = arith.index_cast %parallel_loop3A_664 : i32 to index
        %parallel_loop3A_711 = arith.constant 112 : index
        %parallel_loop3A_712 = tpu.vector_load %arg11[%parallel_loop3A_710, %parallel_loop3A_711] {strides = array<i32>} : memref<64x128xf32, #tpu.memory_space<vmem>>, vector<16xf32>,
        tpu.vector_store %arg11[%parallel_loop3A_710, %parallel_loop3A_711], %parallel_loop3A_709 {strides = array<i32>} : memref<64x128xf32, #tpu.memory_space<vmem>>, vector<16xf32>,
      } {sc.loop_unroll_factor = 4 : i64, sc.parallel_access}
      %add3A_615 = arith.addi %mul3A_2, %add3A_406 : i32
      %jit3A_616 = arith.constant 128 : i32
      %div3A_617 = arith.divsi %add3A_615, %jit3A_616 : i32
      %sign3A_618 = arith.constant 0 : i32
      %sign3A_619 = arith.cmpi sgt, %add3A_615, %sign3A_618 : i32
      %sign3A_620 = arith.extui %sign3A_619 : i1 to i32
      %sign3A_621 = arith.constant 0 : i32
      %sign3A_622 = arith.cmpi slt, %add3A_615, %sign3A_621 : i32
      %sign3A_623 = arith.extui %sign3A_622 : i1 to i32
      %sign3A_624 = arith.subi %sign3A_620, %sign3A_623 : i32
      %sign3A_625 = arith.constant 0 : i32
      %sign3A_626 = arith.cmpi sgt, %jit3A_616, %sign3A_625 : i32
      %sign3A_627 = arith.extui %sign3A_626 : i1 to i32
      %sign3A_628 = arith.constant 0 : i32
      %sign3A_629 = arith.cmpi slt, %jit3A_616, %sign3A_628 : i32
      %sign3A_630 = arith.extui %sign3A_629 : i1 to i32
      %sign3A_631 = arith.subi %sign3A_627, %sign3A_630 : i32
      %ne3A_632 = arith.cmpi ne, %sign3A_624, %sign3A_631 : i32
      %rem3A_633 = arith.remsi %add3A_615, %jit3A_616 : i32
      %ne3A_634 = arith.constant 0 : i32
      %ne3A_635 = arith.cmpi ne, %rem3A_633, %ne3A_634 : i32
      %and3A_636 = arith.andi %ne3A_632, %ne3A_635 : i1
      %sub3A_637 = arith.constant 1 : i32
      %sub3A_638 = arith.subi %div3A_617, %sub3A_637 : i32
      %select_n3A_639 = arith.select %and3A_636, %sub3A_638, %div3A_617 : i32
      %jit3A_640 = arith.constant 128 : i32
      %eq3A_641 = arith.constant 0 : i32
      %eq3A_642 = arith.cmpi eq, %jit3A_640, %eq3A_641 : i32
      %jit3A_643 = arith.constant 1 : i32
      %select_n3A_644 = arith.select %eq3A_642, %jit3A_643, %jit3A_640 : i32
      %rem3A_645 = arith.remsi %add3A_615, %select_n3A_644 : i32
      %ne3A_646 = arith.constant 0 : i32
      %ne3A_647 = arith.cmpi ne, %rem3A_645, %ne3A_646 : i32
      %lt3A_648 = arith.constant 0 : i32
      %lt3A_649 = arith.cmpi slt, %rem3A_645, %lt3A_648 : i32
      %lt3A_650 = arith.constant 0 : i32
      %lt3A_651 = arith.cmpi slt, %select_n3A_644, %lt3A_650 : i32
      %ne3A_652 = arith.xori %lt3A_649, %lt3A_651 : i1
      %and3A_653 = arith.andi %ne3A_652, %ne3A_647 : i1
      %add3A_654 = arith.addi %rem3A_645, %select_n3A_644 : i32
      %select_n3A_655 = arith.select %and3A_653, %add3A_654, %rem3A_645 : i32
      %mul3A_656 = arith.constant 128 : i32
      %mul3A_657 = arith.muli %select_n3A_655, %mul3A_656 : i32
      %dma_start3A_658 = arith.constant 0 : i32
      %dma_start3A_659 = tpu.memref_slice %arg4[%select_n3A_639, %dma_start3A_658, %mul3A_657] : memref<20x64x16384xf32, #tpu.memory_space<hbm>> -> memref<1x64x128xf32, #tpu.memory_space<hbm>>
      %dma_start3A_660 = tpu.memref_squeeze %dma_start3A_659 : memref<1x64x128xf32, #tpu.memory_space<hbm>> -> memref<64x128xf32, #tpu.memory_space<hbm>>
      %dma_start3A_661 = arith.constant 0 : i32
      %dma_start3A_662 = tpu.memref_slice %arg4[%select_n3A_639, %dma_start3A_661, %mul3A_657] : memref<20x64x16384xf32, #tpu.memory_space<hbm>> -> memref<1x64x128xf32, #tpu.memory_space<hbm>>
      %dma_start3A_663 = tpu.memref_squeeze %dma_start3A_662 : memref<1x64x128xf32, #tpu.memory_space<hbm>> -> memref<64x128xf32, #tpu.memory_space<hbm>>
      tpu.enqueue_dma source(%arg11 : memref<64x128xf32, #tpu.memory_space<vmem>>) target(%dma_start3A_663 : memref<64x128xf32, #tpu.memory_space<hbm>>) target_semaphore(%arg13 : memref<!tpu.dma_semaphore, #tpu.memory_space<semaphore_mem>>)
    }
    %scan3A_129 = arith.constant 40 : i32
    %dma_wait3A = arith.constant 0 : i32
    %dma_wait3A_130 = arith.constant 0 : i32
    %dma_wait3A_131 = tpu.memref_slice %arg8[%dma_wait3A, %dma_wait3A_130] : memref<128x129xf32, #tpu.memory_space<vmem>> -> memref<128x128xf32, #tpu.memory_space<vmem>>
    %dma_wait3A_132 = arith.constant 0 : i32
    %dma_wait3A_133 = arith.constant 0 : i32
    %dma_wait3A_134 = tpu.memref_slice %arg3[%dma_wait3A_132, %dma_wait3A_133] : memref<500224x128xf32, #tpu.memory_space<hbm>> -> memref<500224x128xf32, #tpu.memory_space<hbm>>
    tpu.wait_indirect_dma semaphore(%arg12 : memref<!tpu.dma_semaphore, #tpu.memory_space<semaphore_mem>>) src(%dma_wait3A_134 : memref<500224x128xf32, #tpu.memory_space<hbm>>) dst(%dma_wait3A_131 : memref<128x128xf32, #tpu.memory_space<vmem>>)
    %dma_wait3A_135 = arith.constant 0 : i32
    %dma_wait3A_136 = arith.constant 0 : i32
    %dma_wait3A_137 = arith.constant 0 : i32
    %dma_wait3A_138 = tpu.memref_slice %arg4[%dma_wait3A_135, %dma_wait3A_136, %dma_wait3A_137] : memref<20x64x16384xf32, #tpu.memory_space<hbm>> -> memref<1x64x128xf32, #tpu.memory_space<hbm>>
    %dma_wait3A_139 = tpu.memref_squeeze %dma_wait3A_138 : memref<1x64x128xf32, #tpu.memory_space<hbm>> -> memref<64x128xf32, #tpu.memory_space<hbm>>
    %dma_wait3A_140 = arith.constant 0 : i32
    %dma_wait3A_141 = arith.constant 0 : i32
    %dma_wait3A_142 = tpu.memref_slice %arg4[%dma_wait3A_135, %dma_wait3A_140, %dma_wait3A_141] : memref<20x64x16384xf32, #tpu.memory_space<hbm>> -> memref<1x64x128xf32, #tpu.memory_space<hbm>>
    %dma_wait3A_143 = tpu.memref_squeeze %dma_wait3A_142 : memref<1x64x128xf32, #tpu.memory_space<hbm>> -> memref<64x128xf32, #tpu.memory_space<hbm>>
    tpu.wait_dma2 semaphore(%arg13 : memref<!tpu.dma_semaphore, #tpu.memory_space<semaphore_mem>>) src(%arg10 : memref<64x128xf32, #tpu.memory_space<vmem>>) dst(%dma_wait3A_143 : memref<64x128xf32, #tpu.memory_space<hbm>>)
    %dma_wait3A_144 = arith.constant 0 : i32
    %dma_wait3A_145 = arith.constant 0 : i32
    %dma_wait3A_146 = arith.constant 0 : i32
    %dma_wait3A_147 = tpu.memref_slice %arg4[%dma_wait3A_144, %dma_wait3A_145, %dma_wait3A_146] : memref<20x64x16384xf32, #tpu.memory_space<hbm>> -> memref<1x64x128xf32, #tpu.memory_space<hbm>>
    %dma_wait3A_148 = tpu.memref_squeeze %dma_wait3A_147 : memref<1x64x128xf32, #tpu.memory_space<hbm>> -> memref<64x128xf32, #tpu.memory_space<hbm>>
    %dma_wait3A_149 = arith.constant 0 : i32
    %dma_wait3A_150 = arith.constant 0 : i32
    %dma_wait3A_151 = tpu.memref_slice %arg4[%dma_wait3A_144, %dma_wait3A_149, %dma_wait3A_150] : memref<20x64x16384xf32, #tpu.memory_space<hbm>> -> memref<1x64x128xf32, #tpu.memory_space<hbm>>
    %dma_wait3A_152 = tpu.memref_squeeze %dma_wait3A_151 : memref<1x64x128xf32, #tpu.memory_space<hbm>> -> memref<64x128xf32, #tpu.memory_space<hbm>>
    tpu.wait_dma2 semaphore(%arg13 : memref<!tpu.dma_semaphore, #tpu.memory_space<semaphore_mem>>) src(%arg11 : memref<64x128xf32, #tpu.memory_space<vmem>>) dst(%dma_wait3A_152 : memref<64x128xf32, #tpu.memory_space<hbm>>)
    return
  }
}

module attributes {stable_mosaic.version = 14 : i64} {
  func.func @_tc_pack_body(%arg0: i32, %arg1: memref<64x512xf32, #tpu.memory_space<vmem>>, %arg2: memref<64x512xf32, #tpu.memory_space<vmem>>, %arg3: memref<512x128xf32, #tpu.memory_space<vmem>>) attributes {dimension_semantics = [#tpu.dimension_semantics<arbitrary>], iteration_bounds = array<i64: 977>, scalar_prefetch = 0 : i64, scratch_operands = 0 : i64, tpu.core_type = #tpu.core_type<tc>, window_params = [{transform_indices = @transform_0, window_bounds = array<i64: 64, 512>}, {transform_indices = @transform_1, window_bounds = array<i64: 64, 512>}, {transform_indices = @transform_2, window_bounds = array<i64: 512, 128>}]} {
    %get3A = arith.constant 0 : index
    %get3A_0 = arith.constant 0 : index
    %get3A_1 = vector.load %arg1[%get3A, %get3A_0] : memref<64x512xf32, #tpu.memory_space<vmem>>, vector<64x512xf32>
    %transpose3A = tpu.transpose %get3A_1, [1, 0] : vector<64x512xf32> -> vector<512x64xf32>
    %swap3A = arith.constant 0 : index
    %swap3A_2 = arith.constant 0 : index
    %swap3A_3 = vector.load %arg3[%swap3A, %swap3A_2] : memref<512x128xf32, #tpu.memory_space<vmem>>, vector<512x64xf32>
    tpu.vector_store %arg3[%swap3A, %swap3A_2], %transpose3A {strides = array<i32>} : memref<512x128xf32, #tpu.memory_space<vmem>>, vector<512x64xf32>,
    %get3A_4 = arith.constant 0 : index
    %get3A_5 = arith.constant 0 : index
    %get3A_6 = vector.load %arg2[%get3A_4, %get3A_5] : memref<64x512xf32, #tpu.memory_space<vmem>>, vector<64x512xf32>
    %transpose3A_7 = tpu.transpose %get3A_6, [1, 0] : vector<64x512xf32> -> vector<512x64xf32>
    %swap3A_8 = arith.constant 0 : index
    %swap3A_9 = arith.constant 64 : index
    %swap3A_10 = vector.load %arg3[%swap3A_8, %swap3A_9] : memref<512x128xf32, #tpu.memory_space<vmem>>, vector<512x64xf32>
    tpu.vector_store %arg3[%swap3A_8, %swap3A_9], %transpose3A_7 {strides = array<i32>} : memref<512x128xf32, #tpu.memory_space<vmem>>, vector<512x64xf32>,
    return
  }
  func.func @transform_0(%arg0: i32) -> (i32, i32) {
    %c0_i32 = arith.constant 0 : i32
    %c0_i32_0 = arith.constant 0 : i32
    return %c0_i32, %arg0 : i32, i32
  }
  func.func @transform_1(%arg0: i32) -> (i32, i32) {
    %add3A = arith.constant 977 : i32
    %add3A_0 = arith.addi %arg0, %add3A : i32
    %c0_i32 = arith.constant 0 : i32
    %c0_i32_1 = arith.constant 0 : i32
    return %c0_i32, %add3A_0 : i32, i32
  }
  func.func @transform_2(%arg0: i32) -> (i32, i32) {
    %c0_i32 = arith.constant 0 : i32
    %c0_i32_0 = arith.constant 0 : i32
    return %arg0, %c0_i32 : i32, i32
  }
}

</mosaic_0001>

<sc_bundles>
// kernel: kernel.4.cloned.1.call-start
scs
__scs_entry_jumppad:
0x0: {  	(pc) =	sbr.rel $0x88, $3  }
0x1: {  	(tag) =	ssettag $0x0;
	lr =	simm.s32 $0x1  }
0x2: {  	[smem:$0x3F9F] =	sst lr;
	_ =	strace $0xD0000000  }
0x3: {  	_ = 	snop  }
0x4: {  	_ = 	snop  }
0x5: {  	_ = 	snop  }
0x6: {  	_ = 	snop  }
0x7: {  	_ = 	snop  }
__scs_overlays_trampoline_lowered:
0x8: {  	[smem:$0x3FAE] =	sst s0  }
0x9: {  	[smem:$0x3FAF] =	sst s1  }
0xa: {  	[smem:$0x3FB0] =	sst s2  }
0xb: {  	[smem:$0x3FB1] =	sst s3  }
0xc: {  	[smem:$0x3FB2] =	sst s4  }
0xd: {  	[smem:$0x3FB3] =	sst s5  }
0xe: {  	[smem:$0x3FB4] =	sst s6  }
0xf: {  	[smem:$0x3FB5] =	sst s7  }
0x10: {  	[smem:$0x3FB6] =	sst s8  }
0x11: {  	[smem:$0x3FB7] =	sst s9;
	s0 =	simm.s32 @!p0 $0x0  }
0x12: {  	s1 =	sld [smem:$0x3F9D];
	s0 =	simm.s32 @p0 $0x1  }
0x13: {  	[smem:$0x3FB8] =	sst s0;
	s0 =	simm.s32 @!p1 $0x0  }
0x14: {  	s2 =	sld [smem:$0x3F9C];
	s0 =	simm.s32 @p1 $0x1  }
0x15: {  	[smem:$0x3FB9] =	sst s0;
	s0 =	simm.s32 @!p2 $0x0  }
0x16: {  	s3 =	sld [smem:$0x3FDB];
	s0 =	simm.s32 @p2 $0x1  }
0x17: {  	s4 =	simm.s32 $0x1BF5;
	[smem:$0x3FBB] =	sst s0  }
0x18: {  	s0 =	sld [smem:$0x3F9E];
	_ =	swait.ge [sflag:s4], $0x0  }
0x19: {  	s7 =	sld [smem:$0x3F9F]  }
0x1a: {  	s8 =	sadd.s32 $0xFFFFE003, lr  }
0x1b: {  	s9 =	sadd.s32 $0xFFFFFEF7, lr;
	s5 =	simm.s32 $0xFFFFFFFF;
	p2 =	slt.u32 s8, $0xFFFFF086  }
0x1c: {  	p1 =	slt.u32 s9, $0xF7A;
	s5 =	simm.s32 @!p2 $0x0  }
0x1d: {  	s5 =	simm.s32 @p1 $0x1;
	p0 =	seq.s32 s7, s2  }
0x1e: {  	s7 =	smul.u32 @!p0 $0xF7A, s2;
	p2 =	seq.s32 @!p0 s5, $0x0  }
0x1f: {  	s9 =	smul.u32 $0xF7A, s1;
	s8 =	simm.s32 @!p0 $0x1BF5;
	p2 =	por !p2, p0  }
0x20: {  	[sflag:s8] =	ssyncset.s32 @!p0 $0xFFFFF086;
	s6 =	sadd.s32 @!p0 s3, s7;
	s7 =	simm.s32 @!p0 $0x108  }
0x21: {  	s3 =	sadd.s32 s3, s9;
	s6 =	sadd.s32 @!p0 $0x88, s6;
	s7 =	simm.s32 @p2 $0x1082  }
0x22: {  	[simem:s7], [sflag:s8] =	dma.local @!p0 [hbm:s6], $0xF7A  }
0x23: {  	s9 =	sor.u32 $0xD0000000, s2;
	s6 =	simm.s32 $0x108;
	_ =	swait.ge @!p0 [sflag:s8], $0x0  }
0x24: {  	s3 =	sadd.s32 $0x88, s3;
	s6 =	simm.s32 @!p1 $0x1082;
	[sflag:s4] =	ssyncset.s32 $0xFFFFF086  }
0x25: {  	[simem:s6], [sflag:s4] =	dma.local [hbm:s3], $0xF7A  }
0x26: {  	[smem:$0x3F9F] =	sst s1;
	(tag) =	ssettag s2;
	_ =	strace s9  }
0x27: {  	s1 =	sld [smem:$0x3FAF]  }
0x28: {  	s2 =	sld [smem:$0x3FB0]  }
0x29: {  	s4 =	sld [smem:$0x3FB2]  }
0x2a: {  	p0 =	seq.s32 s5, $0x0;
	s5 =	sld [smem:$0x3FB3]  }
0x2b: {  	s6 =	sld [smem:$0x3FB4]  }
0x2c: {  	s7 =	sld [smem:$0x3FB5]  }
0x2d: {  	s3 =	simm.s32 $0x108;
	s8 =	sld [smem:$0x3FB6]  }
0x2e: {  	s3 =	simm.s32 @!p0 $0x1082;
	s9 =	sld [smem:$0x3FB7]  }
0x2f: {  	lr =	sadd.s32 s0, s3;
	s0 =	sld [smem:$0x3FAE]  }
0x30: {  	s3 =	sld [smem:$0x3FB1]  }
0x31: {  	[smem:$0x3FBA] =	sst s10  }
0x32: {  	s10 =	sld [smem:$0x3FB8];
	_ =	sdelay $0x3  }
0x33: {  	p0 =	seq.s32 s10, $0x1;
	s10 =	sld [smem:$0x3FBA];
	_ =	sdelay $0x3  }
0x34: {  	[smem:$0x3FBA] =	sst s10  }
0x35: {  	s10 =	sld [smem:$0x3FB9];
	_ =	sdelay $0x3  }
0x36: {  	p1 =	seq.s32 s10, $0x1;
	s10 =	sld [smem:$0x3FBA];
	_ =	sdelay $0x3  }
0x37: {  	[smem:$0x3FBA] =	sst s10  }
0x38: {  	s10 =	sld [smem:$0x3FBB]  }
0x39: {  	_ = 	snop;
	(pc) =	sbr.ind lr, $3  }
0x3a: {  	_ = 	snop  }
0x3b: {  	_ = 	snop  }
0x3c: {  	p2 =	seq.s32 s10, $0x1;
	s10 =	sld [smem:$0x3FBA]  }
0x3d: {  	_ =	shalt  }
0x3e: {  	_ =	shalt  }
0x3f: {  	_ =	shalt  }
0x40: {  	_ =	shalt  }
0x41: {  	_ =	shalt  }
0x42: {  	_ =	shalt  }
0x43: {  	_ =	shalt  }
0x44: {  	_ =	shalt  }
0x45: {  	_ =	shalt  }
0x46: {  	_ =	shalt  }
0x47: {  	_ =	shalt  }
0x48: {  	_ =	shalt  }
0x49: {  	_ =	shalt  }
0x4a: {  	_ =	shalt  }
0x4b: {  	_ =	shalt  }
0x4c: {  	_ =	shalt  }
0x4d: {  	_ =	shalt  }
0x4e: {  	_ =	shalt  }
0x4f: {  	_ =	shalt  }
0x50: {  	_ =	shalt  }
0x51: {  	_ =	shalt  }
0x52: {  	_ =	shalt  }
0x53: {  	_ =	shalt  }
0x54: {  	_ =	shalt  }
0x55: {  	_ =	shalt  }
0x56: {  	_ =	shalt  }
0x57: {  	_ =	shalt  }
0x58: {  	_ =	shalt  }
0x59: {  	_ =	shalt  }
0x5a: {  	_ =	shalt  }
0x5b: {  	_ =	shalt  }
0x5c: {  	_ =	shalt  }
0x5d: {  	_ =	shalt  }
0x5e: {  	_ =	shalt  }
0x5f: {  	_ =	shalt  }
0x60: {  	_ =	shalt  }
0x61: {  	_ =	shalt  }
0x62: {  	_ =	shalt  }
0x63: {  	_ =	shalt  }
0x64: {  	_ =	shalt  }
0x65: {  	_ =	shalt  }
0x66: {  	_ =	shalt  }
0x67: {  	_ =	shalt  }
0x68: {  	_ =	shalt  }
0x69: {  	_ =	shalt  }
0x6a: {  	_ =	shalt  }
0x6b: {  	_ =	shalt  }
0x6c: {  	_ =	shalt  }
0x6d: {  	_ =	shalt  }
0x6e: {  	_ =	shalt  }
0x6f: {  	_ =	shalt  }
0x70: {  	_ =	shalt  }
0x71: {  	_ =	shalt  }
0x72: {  	_ =	shalt  }
0x73: {  	_ =	shalt  }
0x74: {  	_ =	shalt  }
0x75: {  	_ =	shalt  }
0x76: {  	_ =	shalt  }
0x77: {  	_ =	shalt  }
0x78: {  	_ =	shalt  }
0x79: {  	_ =	shalt  }
0x7a: {  	_ =	shalt  }
0x7b: {  	_ =	shalt  }
0x7c: {  	_ =	shalt  }
0x7d: {  	_ =	shalt  }
0x7e: {  	_ =	shalt  }
0x7f: {  	_ =	shalt  }
0x80: {  	_ =	shalt  }
0x81: {  	_ =	shalt  }
0x82: {  	_ =	shalt  }
0x83: {  	_ =	shalt  }
0x84: {  	_ =	shalt  }
0x85: {  	_ =	shalt  }
0x86: {  	_ =	shalt  }
0x87: {  	_ =	shalt  }
.Lfunc_end0:
.L_simem_size_0:
called_computation_lowered:
.L_overlay_start_0:
0x88: {  	s2 =	sld [smem:$0x3FD9]  }
0x89: {  	s3 =	sld [smem:$0x3FFE];
	_ =	sdelay $0x1  }
0x8a: {  	s1 =	srdreg.scid  }
0x8b: {  	s0 =	sand.u32 $0x1, s1  }
0x8c: {  	s17 =	sshll.u32 s0, $0xA;
	s2 =	sadd.s32 s3, s2  }
0x8d: {  	s2 =	sadd.s32 s2, s17  }
0x8e: {  	[smem:$0x3FC6] =	sst s2  }
0x8f: {  	_ = 	snop  }
0x90: {  	s2 =	sld [smem:$0x3FD0];
	(tm) =	ssettm $0x1  }
0x91: {  	s18 =	sld [smem:$0x3FFB];
	_ =	sdelay $0x3  }
0x92: {  	_ =	strace s18  }
0x93: {  	s3 =	sld [smem:$0x3FFC];
	_ =	sdelay $0x3  }
0x94: {  	_ =	strace s3  }
0x95: {  	s3 =	sld [smem:$0x3FFD];
	_ =	sdelay $0x3  }
0x96: {  	_ =	strace s3  }
0x97: {  	_ =	strace $0x8FFFFFFF  }
0x98: {  	s19 =	sld [smem:$0x3FDB];
	_ =	sdelay $0x1  }
0x99: {  	s4 =	simm.s32 $_scs_section_size  }
0x9a: {  	s5 =	simm.s32 $_size__tile_overlayer_lowered;
	s6 =	simm.s32 $_tile_overlayer_lowered  }
0x9b: {  	s22 =	simm.s32 $0x1BFF;
	s21 =	sshll.u32 s6, $0x1;
	s3 =	sadd.s32 s4, s19  }
0x9c: {  	s7 =	simm.s32 $0x0;
	s20 =	sshll.u32 s5, $0x1;
	s5 =	sadd.s32 s21, s3  }
0x9d: {  	[timem:s7], [sflag:s22] =	dma.local [hbm:s5], s20  }
0x9e: {  	_ =	swait.ge [sflag:s22], s20  }
0x9f: {  	s4 =	ssub.s32 $0x0, s20;
	[sflag:s22] =	ssyncset.done $0x0  }
0xa0: {  	[sflag:s22] =	ssyncadd.s32 s4;
	_ =	sdelay $0x1  }
0xa1: {  	s23 =	simm.s32 $0x1B8B  }
0xa2: {  	_ =	swait.ge [sflag:s23], $0x1  }
0xa3: {  	[sflag:s23] =	ssyncset.done $0x0  }
0xa4: {  	s25 =	simm.s32 $0x1B8E;
	s24 =	sld [smem:$0x3FFE];
	[sflag:s23] =	ssyncadd.s32 $0xFFFFFFFF  }
0xa5: {  	s26 =	simm.s32 $execute0_lowered;
	[smem:$0x3FD2] =	sst s25  }
0xa6: {  	s5 =	sshll.u32 s26, $0x1;
	_ =	strace $0x80000046;
	[dreg:$0x1] =	wrdreg $0xFFFFFFFF  }
0xa7: {  	s28 =	simm.s32 $_size_execute0_lowered;
	s3 =	sadd.s32 s3, s5;
	[dreg:$0x0] =	wrdreg $0x0  }
0xa8: {  	s5 =	sshll.u32 s28, $0x1;
	[dreg:$0x2] =	wrdreg s3  }
0xa9: {  	[dreg:$0x3] =	wrdreg s5  }
0xaa: {  	[dreg:$0x4] =	wrdreg $0xC0  }
0xab: {  	_ =	task [dreg:s7], $0x5FFFF  }
0xac: {  	[dreg:$0x1] =	wrdreg $0xFFFFFFFF  }
0xad: {  	[dreg:$0x0] =	wrdreg $0x60  }
0xae: {  	[dreg:$0x2] =	wrdreg s24  }
0xaf: {  	[dreg:$0x3] =	wrdreg s2  }
0xb0: {  	[dreg:$0x4] =	wrdreg $0x9  }
0xb1: {  	_ =	task.clear_ibuf [dreg:s7], $0x5FFFF;
	_ =	strace $0x90000046  }
0xb2: {  	s29 =	simm.s32 $0x9;
	_ =	strace $0x80000048  }
0xb3: {  	_ =	swait.ge [sflag:s29], $0x1  }
0xb4: {  	[sflag:s29] =	ssyncadd.s32 $0xFFFFFFFF  }
0xb5: {  	_ =	strace $0x90000048  }
0xb6: {  	_ =	sfence  }
0xb7: {  	s30 =	sld [smem:$0x0];
	_ =	sdelay $0x2  }
0xb8: {  	s31 =	sshll.u32 s1, $0xD;
	s1 =	sshrl.u32 s1, $0x2  }
0xb9: {  	s3 =	sand.u32 $0x4000, s31;
	s1 =	sadd.s32 s1, s30  }
0xba: {  	s0 =	sor.u32 s3, s0;
	s1 =	sshll.u32 s1, $0x11  }
0xbb: {  	s0 =	sor.u32 s1, s0  }
0xbc: {  	s0 =	sadd.s32 $0x8F2B, s0  }
0xbd: {  	[sflag:s0] =	ssyncadd.remote.s32 $0x1  }
0xbe: {  	_ =	sfence.sel $0xFFFF  }
0xbf: {  	[dreg:$0x0] =	wrdreg $0xFFFFFFFF;
	(pc) =	sbr.abs _section_cstart, $3  }
0xc0: {  	[dreg:$0x1] =	wrdreg $0xFFFFFFFF  }
0xc1: {  	_ =	task.clear_ibuf [dreg:s7], $0x2FFFF;
	_ =	strace $0x9FFFFFFF  }
0xc2: {  	(tm) =	ssettm $0x7FFFFFFF  }
0xc3: {  	_ =	shalt  }
tec
execute0_lowered:
.L_overlay_start_1:
0x0: {  	(tag) =	ssettag $0x1  }
0x1: {  	v0 =	vimm.s32 $0xB80  }
0x2: {  	vm15 =	vcmask $0x300;
	vm14 =	vcmask $0x704;
	vm13 =	vcmask $0xB08  }
0x3: {  	vm12 =	vcmask $0xF0C;
	vm11 =	vcmask $0x1310;
	vm10 =	vcmask $0x1714  }
0x4: {  	vm9 =	vcmask $0x1B18;
	vm8 =	vcmask $0x1F1C;
	vm7 =	vcmask $0x2320  }
0x5: {  	vm6 =	vcmask $0x2724;
	vm5 =	vcmask $0x2B28;
	v2 =	vlaneseq.u32  }
0x6: {  	vm4 =	vcmask $0x2F2C;
	vm3 =	vcmask $0x3330;
	vm2 =	vcmask $0x3734  }
0x7: {  	vm1 =	vcmask $0x3B38;
	vm0 =	vmmov $0xff;
	v5 =	vimm.s32 $0x1B80  }
0x8: {  	v6 =	vimm.s32 $0x1BC0;
	v7 =	vimm.s32 $0x2B80;
	v8 =	vimm.s32 $0x2BC0  }
0x9: {  	v9 =	vimm.s32 $0x3B80;
	v10 =	vimm.s32 $0x3BC0;
	v11 =	vimm.s32 $0x4B80  }
0xa: {  	v12 =	vimm.s32 $0x4BC0;
	v13 =	vimm.s32 $0x5B80;
	v14 =	vimm.s32 $0x5BC0  }
0xb: {  	v15 =	vimm.s32 $0x6B80;
	v16 =	vimm.s32 $0x6BC0;
	v17 =	vimm.s32 $0x7B80  }
0xc: {  	v18 =	vimm.s32 $0x7BC0;
	v0 =	vsel vm15, $0x0, v0;
	v3 =	vshrl.u32 v2, $0x3  }
0xd: {  	v5 =	vsel vm15, $0x1000, v5;
	v6 =	vsel vm15, $0x1040, v6;
	v7 =	vsel vm15, $0x2000, v7  }
0xe: {  	v8 =	vsel vm15, $0x2040, v8;
	v9 =	vsel vm15, $0x3000, v9;
	v10 =	vsel vm15, $0x3040, v10  }
0xf: {  	v11 =	vsel vm15, $0x4000, v11;
	v12 =	vsel vm15, $0x4040, v12;
	v13 =	vsel vm15, $0x5000, v13  }
0x10: {  	v14 =	vsel vm15, $0x5040, v14;
	v15 =	vsel vm15, $0x6000, v15;
	v16 =	vsel vm15, $0x6040, v16  }
0x11: {  	v17 =	vsel vm15, $0x7000, v17;
	v18 =	vsel vm15, $0x7040, v18;
	v0 =	vsel vm14, $0x80, v0  }
0x12: {  	v5 =	vsel vm14, $0x1080, v5;
	v6 =	vsel vm14, $0x10C0, v6;
	v7 =	vsel vm14, $0x2080, v7  }
0x13: {  	v8 =	vsel vm14, $0x20C0, v8;
	v9 =	vsel vm14, $0x3080, v9;
	v10 =	vsel vm14, $0x30C0, v10  }
0x14: {  	v11 =	vsel vm14, $0x4080, v11;
	v12 =	vsel vm14, $0x40C0, v12;
	v13 =	vsel vm14, $0x5080, v13  }
0x15: {  	v14 =	vsel vm14, $0x50C0, v14;
	v15 =	vsel vm14, $0x6080, v15;
	v16 =	vsel vm14, $0x60C0, v16  }
0x16: {  	v17 =	vsel vm14, $0x7080, v17;
	v18 =	vsel vm14, $0x70C0, v18;
	v0 =	vsel vm13, $0x100, v0  }
0x17: {  	v5 =	vsel vm13, $0x1100, v5;
	v6 =	vsel vm13, $0x1140, v6;
	v7 =	vsel vm13, $0x2100, v7  }
0x18: {  	v8 =	vsel vm13, $0x2140, v8;
	v9 =	vsel vm13, $0x3100, v9;
	v10 =	vsel vm13, $0x3140, v10  }
0x19: {  	v11 =	vsel vm13, $0x4100, v11;
	v12 =	vsel vm13, $0x4140, v12;
	v13 =	vsel vm13, $0x5100, v13  }
0x1a: {  	v14 =	vsel vm13, $0x5140, v14;
	v15 =	vsel vm13, $0x6100, v15;
	v16 =	vsel vm13, $0x6140, v16  }
0x1b: {  	v17 =	vsel vm13, $0x7100, v17;
	v18 =	vsel vm13, $0x7140, v18;
	v0 =	vsel vm12, $0x180, v0  }
0x1c: {  	v5 =	vsel vm12, $0x1180, v5;
	v6 =	vsel vm12, $0x11C0, v6;
	v7 =	vsel vm12, $0x2180, v7  }
0x1d: {  	v8 =	vsel vm12, $0x21C0, v8;
	v9 =	vsel vm12, $0x3180, v9;
	v10 =	vsel vm12, $0x31C0, v10  }
0x1e: {  	v11 =	vsel vm12, $0x4180, v11;
	v12 =	vsel vm12, $0x41C0, v12;
	v13 =	vsel vm12, $0x5180, v13  }
0x1f: {  	v14 =	vsel vm12, $0x51C0, v14;
	v15 =	vsel vm12, $0x6180, v15;
	v16 =	vsel vm12, $0x61C0, v16  }
0x20: {  	v17 =	vsel vm12, $0x7180, v17;
	v18 =	vsel vm12, $0x71C0, v18;
	v0 =	vsel vm11, $0x200, v0  }
0x21: {  	v5 =	vsel vm11, $0x1200, v5;
	v6 =	vsel vm11, $0x1240, v6;
	v7 =	vsel vm11, $0x2200, v7  }
0x22: {  	v8 =	vsel vm11, $0x2240, v8;
	v9 =	vsel vm11, $0x3200, v9;
	v10 =	vsel vm11, $0x3240, v10  }
0x23: {  	v11 =	vsel vm11, $0x4200, v11;
	v12 =	vsel vm11, $0x4240, v12;
	v13 =	vsel vm11, $0x5200, v13  }
0x24: {  	v14 =	vsel vm11, $0x5240, v14;
	v15 =	vsel vm11, $0x6200, v15;
	v16 =	vsel vm11, $0x6240, v16  }
0x25: {  	v17 =	vsel vm11, $0x7200, v17;
	v18 =	vsel vm11, $0x7240, v18;
	v0 =	vsel vm10, $0x280, v0  }
0x26: {  	v5 =	vsel vm10, $0x1280, v5;
	v6 =	vsel vm10, $0x12C0, v6;
	v7 =	vsel vm10, $0x2280, v7  }
0x27: {  	v8 =	vsel vm10, $0x22C0, v8;
	v9 =	vsel vm10, $0x3280, v9;
	v10 =	vsel vm10, $0x32C0, v10  }
0x28: {  	v11 =	vsel vm10, $0x4280, v11;
	v12 =	vsel vm10, $0x42C0, v12;
	v13 =	vsel vm10, $0x5280, v13  }
0x29: {  	v14 =	vsel vm10, $0x52C0, v14;
	v15 =	vsel vm10, $0x6280, v15;
	v16 =	vsel vm10, $0x62C0, v16  }
0x2a: {  	v17 =	vsel vm10, $0x7280, v17;
	v18 =	vsel vm10, $0x72C0, v18;
	v0 =	vsel vm9, $0x300, v0  }
0x2b: {  	v5 =	vsel vm9, $0x1300, v5;
	v6 =	vsel vm9, $0x1340, v6;
	v7 =	vsel vm9, $0x2300, v7  }
0x2c: {  	v8 =	vsel vm9, $0x2340, v8;
	v9 =	vsel vm9, $0x3300, v9;
	v10 =	vsel vm9, $0x3340, v10  }
0x2d: {  	v11 =	vsel vm9, $0x4300, v11;
	v12 =	vsel vm9, $0x4340, v12;
	v13 =	vsel vm9, $0x5300, v13  }
0x2e: {  	v14 =	vsel vm9, $0x5340, v14;
	v15 =	vsel vm9, $0x6300, v15;
	v16 =	vsel vm9, $0x6340, v16  }
0x2f: {  	v17 =	vsel vm9, $0x7300, v17;
	v18 =	vsel vm9, $0x7340, v18;
	v0 =	vsel vm8, $0x380, v0  }
0x30: {  	v5 =	vsel vm8, $0x1380, v5;
	v6 =	vsel vm8, $0x13C0, v6;
	v7 =	vsel vm8, $0x2380, v7  }
0x31: {  	v8 =	vsel vm8, $0x23C0, v8;
	v9 =	vsel vm8, $0x3380, v9;
	v10 =	vsel vm8, $0x33C0, v10  }
0x32: {  	v11 =	vsel vm8, $0x4380, v11;
	v12 =	vsel vm8, $0x43C0, v12;
	v13 =	vsel vm8, $0x5380, v13  }
0x33: {  	v14 =	vsel vm8, $0x53C0, v14;
	v15 =	vsel vm8, $0x6380, v15;
	v16 =	vsel vm8, $0x63C0, v16  }
0x34: {  	v17 =	vsel vm8, $0x7380, v17;
	v18 =	vsel vm8, $0x73C0, v18;
	v0 =	vsel vm7, $0x800, v0  }
0x35: {  	v5 =	vsel vm7, $0x1800, v5;
	v6 =	vsel vm7, $0x1840, v6;
	v7 =	vsel vm7, $0x2800, v7  }
0x36: {  	v8 =	vsel vm7, $0x2840, v8;
	v9 =	vsel vm7, $0x3800, v9;
	v10 =	vsel vm7, $0x3840, v10  }
0x37: {  	v11 =	vsel vm7, $0x4800, v11;
	v12 =	vsel vm7, $0x4840, v12;
	v13 =	vsel vm7, $0x5800, v13  }
0x38: {  	v14 =	vsel vm7, $0x5840, v14;
	v15 =	vsel vm7, $0x6800, v15;
	v16 =	vsel vm7, $0x6840, v16  }
0x39: {  	v17 =	vsel vm7, $0x7800, v17;
	v18 =	vsel vm7, $0x7840, v18;
	v0 =	vsel vm6, $0x880, v0  }
0x3a: {  	v5 =	vsel vm6, $0x1880, v5;
	v6 =	vsel vm6, $0x18C0, v6;
	v7 =	vsel vm6, $0x2880, v7  }
0x3b: {  	v8 =	vsel vm6, $0x28C0, v8;
	v9 =	vsel vm6, $0x3880, v9;
	v10 =	vsel vm6, $0x38C0, v10  }
0x3c: {  	v11 =	vsel vm6, $0x4880, v11;
	v12 =	vsel vm6, $0x48C0, v12;
	v13 =	vsel vm6, $0x5880, v13  }
0x3d: {  	v14 =	vsel vm6, $0x58C0, v14;
	v15 =	vsel vm6, $0x6880, v15;
	v16 =	vsel vm6, $0x68C0, v16  }
0x3e: {  	v17 =	vsel vm6, $0x7880, v17;
	v18 =	vsel vm6, $0x78C0, v18;
	v1 =	vsel vm5, $0x900, v0  }
0x3f: {  	v0 =	vand.u32 $0x7, v2;
	v2 =	vor.u32 $0x8, v2;
	v5 =	vsel vm5, $0x1900, v5  }
0x40: {  	v6 =	vsel vm5, $0x1940, v6;
	v7 =	vsel vm5, $0x2900, v7;
	v8 =	vsel vm5, $0x2940, v8  }
0x41: {  	v9 =	vsel vm5, $0x3900, v9;
	v10 =	vsel vm5, $0x3940, v10;
	v11 =	vsel vm5, $0x4900, v11  }
0x42: {  	v12 =	vsel vm5, $0x4940, v12;
	v13 =	vsel vm5, $0x5900, v13;
	v14 =	vsel vm5, $0x5940, v14  }
0x43: {  	v15 =	vsel vm5, $0x6900, v15;
	v16 =	vsel vm5, $0x6940, v16;
	v17 =	vsel vm5, $0x7900, v17  }
0x44: {  	v18 =	vsel vm5, $0x7940, v18;
	v1 =	vsel vm4, $0x980, v1;
	v5 =	vsel vm4, $0x1980, v5  }
0x45: {  	v6 =	vsel vm4, $0x19C0, v6;
	v7 =	vsel vm4, $0x2980, v7;
	v8 =	vsel vm4, $0x29C0, v8  }
0x46: {  	v9 =	vsel vm4, $0x3980, v9;
	v10 =	vsel vm4, $0x39C0, v10;
	v11 =	vsel vm4, $0x4980, v11  }
0x47: {  	v12 =	vsel vm4, $0x49C0, v12;
	v13 =	vsel vm4, $0x5980, v13;
	v14 =	vsel vm4, $0x59C0, v14  }
0x48: {  	v15 =	vsel vm4, $0x6980, v15;
	v16 =	vsel vm4, $0x69C0, v16;
	v17 =	vsel vm4, $0x7980, v17  }
0x49: {  	v18 =	vsel vm4, $0x79C0, v18;
	v4 =	vsel vm3, $0xA00, v1;
	v1 =	vmul.u32 $0x8, v3  }
0x4a: {  	v5 =	vsel vm3, $0x1A00, v5;
	v6 =	vsel vm3, $0x1A40, v6;
	v7 =	vsel vm3, $0x2A00, v7  }
0x4b: {  	v8 =	vsel vm3, $0x2A40, v8;
	v9 =	vsel vm3, $0x3A00, v9;
	v10 =	vsel vm3, $0x3A40, v10  }
0x4c: {  	v11 =	vsel vm3, $0x4A00, v11;
	v12 =	vsel vm3, $0x4A40, v12;
	v13 =	vsel vm3, $0x5A00, v13  }
0x4d: {  	v14 =	vsel vm3, $0x5A40, v14;
	v15 =	vsel vm3, $0x6A00, v15;
	v16 =	vsel vm3, $0x6A40, v16  }
0x4e: {  	v17 =	vsel vm3, $0x7A00, v17;
	v3 =	vsel vm2, $0xA80, v4;
	v4 =	vimm.s32 $0xBC0  }
0x4f: {  	v18 =	vsel vm3, $0x7A40, v18;
	v5 =	vsel vm2, $0x1A80, v5;
	v4 =	vsel vm15, $0x40, v4  }
0x50: {  	v6 =	vsel vm2, $0x1AC0, v6;
	v7 =	vsel vm2, $0x2A80, v7;
	v4 =	vsel vm14, $0xC0, v4  }
0x51: {  	v8 =	vsel vm2, $0x2AC0, v8;
	v9 =	vsel vm2, $0x3A80, v9;
	v4 =	vsel vm13, $0x140, v4  }
0x52: {  	s0 =	srdreg.scid;
	v10 =	vsel vm2, $0x3AC0, v10;
	v11 =	vsel vm2, $0x4A80, v11;
	v4 =	vsel vm12, $0x1C0, v4  }
0x53: {  	s2 =	stileid.u32;
	s1 =	rddreg [dreg:$0x0];
	v12 =	vsel vm2, $0x4AC0, v12;
	v13 =	vsel vm2, $0x5A80, v13;
	v4 =	vsel vm11, $0x240, v4  }
0x54: {  	s9 =	simm.s32 $0x2900;
	s21 =	simm.s32 $0x8900;
	s22 =	simm.s32 $0x9100;
	v14 =	vsel vm2, $0x5AC0, v14;
	v15 =	vsel vm2, $0x6A80, v15;
	v4 =	vsel vm10, $0x2C0, v4  }
0x55: {  	s23 =	simm.s32 $0x9900;
	s24 =	simm.s32 $0xA100;
	s25 =	simm.s32 $0x1;
	v16 =	vsel vm2, $0x6AC0, v16;
	v17 =	vsel vm2, $0x7A80, v17;
	v4 =	vsel vm9, $0x340, v4  }
0x56: {  	s26 =	simm.s32 $0xA900;
	s12 =	simm.s32 $0x12900;
	s13 =	simm.s32 $0x14900;
	v18 =	vsel vm2, $0x7AC0, v18;
	v3 =	vsel vm1, $0xB00, v3;
	v4 =	vsel vm8, $0x3C0, v4  }
0x57: {  	s8 =	simm.s32 $0x0;
	s0 =	sand.u32 $0x1, s0;
	s3 =	sshll.u32 s2, $0x1;
	v5 =	vsel vm1, $0x1B00, v5;
	v6 =	vsel vm1, $0x1B40, v6;
	v4 =	vsel vm7, $0x840, v4  }
0x58: {  	s2 =	rddreg [dreg:$0x1];
	s5 =	sor.u32 s0, s3;
	s0 =	ssub.s32 $0x2, s0;
	v7 =	vsel vm1, $0x2B00, v7;
	v8 =	vsel vm1, $0x2B40, v8;
	v4 =	vsel vm6, $0x8C0, v4  }
0x59: {  	s3 =	simm.s32 $0x0;
	s4 =	smul.u32 $0x500, s5;
	s7 =	sshrl.u32 s0, $0x1;
	v9 =	vsel vm1, $0x3B00, v9;
	v10 =	vsel vm1, $0x3B40, v10;
	v4 =	vsel vm5, $0x940, v4  }
0x5a: {  	[smem:$0x7FF] =	sst s3;
	s5 =	smul.u32 $0x50, s5;
	s0 =	ssub.s32 s0, s7;
	v11 =	vsel vm1, $0x4B00, v11;
	v12 =	vsel vm1, $0x4B40, v12;
	v4 =	vsel vm4, $0x9C0, v4  }
0x5b: {  	_ =	strace $0x80000047;
	s6 =	sadd.s32 s4, s1;
	s0 =	smax.u32 s0, $0x1;
	v13 =	vsel vm1, $0x5B00, v13;
	v14 =	vsel vm1, $0x5B40, v14;
	v4 =	vsel vm3, $0xA40, v4  }
0x5c: {  	s4 =	sadd.s32 $0xA400, s1;
	s31 =	sadd.s32 $0x400, s6;
	[dreg:$0x4] =	wrdreg s0;
	v15 =	vsel vm1, $0x6B00, v15;
	v16 =	vsel vm1, $0x6B40, v16;
	v4 =	vsel vm2, $0xAC0, v4  }
0x5d: {  	s1 =	simm.s32 $0x400;
	s0 =	simm.s32 $0x20000;
	[dreg:$0x3] =	wrdreg s31;
	v17 =	vsel vm1, $0x7B00, v17;
	v18 =	vsel vm1, $0x7B40, v18;
	v4 =	vsel vm1, $0xB40, v4  }
.LBB2_1:
0x5e: {  	[dreg:$0x5] =	wrdreg s8  }
0x5f: {  	s6 =	rddreg [dreg:$0x3];
	s11 =	simm.s32 $0x3  }
0x60: {  	[tilespmem:s3], [sflag:$0x3] =	stream.linear.gather [hbm4b:s6+s3], $0x2800, $0x38;
	[tilespmem:$0x16900] =	vst v63  }
0x61: {  	_ =	swait.ge [sflag:s11], $0x2800  }
0x62: {  	[sflag:s11] =	ssyncset.done $0x0  }
0x63: {  	[sflag:s11] =	ssyncadd.s32 $0xFFFFD800  }
0x64: {  	v19 =	vld [tilespmem:$0x0]  }
0x65: {  	v20 =	vld [tilespmem:$0x10]  }
0x66: {  	v21 =	vld [tilespmem:$0x20]  }
0x67: {  	v23 =	vld [tilespmem:$0x40]  }
0x68: {  	v25 =	vld [tilespmem:$0x50]  }
0x69: {  	v59 =	vld [tilespmem:$0x70];
	_ =	sdelay $0x1  }
0x6a: {  	v22 =	vld [tilespmem:$0x30]  }
0x6b: {  	vm1 =	vgt.s32 v19, $0x7A1FF;
	v24 =	vadd.s32 $0xFFF85E00, v19;
	v26 =	vadd.s32 $0xFFF85E00, v20  }
0x6c: {  	vm2 =	vgt.s32 v21, $0x7A1FF;
	v27 =	vadd.s32 $0xFFF85E00, v21;
	v58 =	vadd.s32 $0xFFF85E00, v23  }
0x6d: {  	v57 =	vld [tilespmem:$0x60];
	v62 =	vadd.s32 $0xFFF85E00, v25;
	v63 =	vadd.s32 $0xFFF85E00, v59;
	v19 =	vsel vm1, v24, v19  }
0x6e: {  	vm1 =	vgt.s32 v20, $0x7A1FF;
	v21 =	vsel vm2, v27, v21;
	vm2 =	vgt.s32 v23, $0x7A1FF;
	[tilespmem:$0x2800] =	vst v19  }
0x6f: {  	v20 =	vsel vm1, v26, v20;
	vm1 =	vgt.s32 v22, $0x7A1FF;
	v61 =	vperm.xlane v19, v0;
	[tilespmem:$0x2820] =	vst v21  }
0x70: {  	v60 =	vsel vm2, v58, v23;
	v19 =	vperm.xlane v19, v2;
	[tilespmem:$0x2810] =	vst v20;
	v20 =	vadd.s32 $0xFFF85E00, v22  }
0x71: {  	[tilespmem:$0x2840] =	vst v60;
	v20 =	vsel vm1, v20, v22;
	vm1 =	vgt.s32 v25, $0x7A1FF;
	v23 =	vadd.s32 v1, v61  }
0x72: {  	vm2 =	vgt.s32 v57, $0x7A1FF;
	[tilespmem:$0x2830] =	vst v20;
	v20 =	vadd.s32 $0xFFF85E00, v57;
	v21 =	vsel vm1, v62, v25  }
0x73: {  	v19 =	vadd.s32 v1, v19;
	vm1 =	vgt.s32 v59, $0x7A1FF;
	v20 =	vsel vm2, v20, v57;
	[tilespmem:$0x2850] =	vst v21  }
0x74: {  	[tilespmem:$0x2860] =	vst v20;
	v20 =	vsel vm1, v63, v59  }
0x75: {  	[tilespmem:$0x2870] =	vst v20  }
0x76: {  	[tilespmem:s9], [sflag:$0x1] =	stream.indirect_vreg.gather [hbm4b:s4+s3], $0x80, v23, vm0, $0xb8;
	[tilespmem:$0x16900] =	vst v63  }
0x77: {  	s14 =	simm.s32 $0x3100  }
0x78: {  	[tilespmem:s14], [sflag:$0x1] =	stream.indirect_vreg.gather [hbm4b:s4+s3], $0x80, v19, vm0, $0xb8;
	[tilespmem:$0x16900] =	vst v63  }
0x79: {  	v19 =	vld [tilespmem:$0x2810];
	_ =	sdelay $0x4  }
0x7a: {  	v20 =	vperm.xlane v19, v0;
	_ =	sdelay $0x1  }
0x7b: {  	v19 =	vperm.xlane v19, v2;
	v20 =	vadd.s32 v1, v20;
	_ =	sdelay $0x1  }
0x7c: {  	v19 =	vadd.s32 v1, v19;
	_ =	sdelay $0x1  }
0x7d: {  	s15 =	simm.s32 $0x3900  }
0x7e: {  	[tilespmem:s15], [sflag:$0x1] =	stream.indirect_vreg.gather [hbm4b:s4+s3], $0x80, v20, vm0, $0xb8;
	[tilespmem:$0x16900] =	vst v63  }
0x7f: {  	s16 =	simm.s32 $0x4100  }
0x80: {  	[tilespmem:s16], [sflag:$0x1] =	stream.indirect_vreg.gather [hbm4b:s4+s3], $0x80, v19, vm0, $0xb8;
	[tilespmem:$0x16900] =	vst v63  }
0x81: {  	v19 =	vld [tilespmem:$0x2820];
	_ =	sdelay $0x4  }
0x82: {  	v20 =	vperm.xlane v19, v0;
	_ =	sdelay $0x1  }
0x83: {  	v19 =	vperm.xlane v19, v2;
	v20 =	vadd.s32 v1, v20;
	_ =	sdelay $0x1  }
0x84: {  	v19 =	vadd.s32 v1, v19;
	_ =	sdelay $0x1  }
0x85: {  	s17 =	simm.s32 $0x4900  }
0x86: {  	[tilespmem:s17], [sflag:$0x1] =	stream.indirect_vreg.gather [hbm4b:s4+s3], $0x80, v20, vm0, $0xb8;
	[tilespmem:$0x16900] =	vst v63  }
0x87: {  	s18 =	simm.s32 $0x5100  }
0x88: {  	[tilespmem:s18], [sflag:$0x1] =	stream.indirect_vreg.gather [hbm4b:s4+s3], $0x80, v19, vm0, $0xb8;
	[tilespmem:$0x16900] =	vst v63  }
0x89: {  	v19 =	vld [tilespmem:$0x2830];
	_ =	sdelay $0x4  }
0x8a: {  	v20 =	vperm.xlane v19, v0;
	_ =	sdelay $0x1  }
0x8b: {  	v19 =	vperm.xlane v19, v2;
	v20 =	vadd.s32 v1, v20;
	_ =	sdelay $0x1  }
0x8c: {  	v19 =	vadd.s32 v1, v19;
	_ =	sdelay $0x1  }
0x8d: {  	s19 =	simm.s32 $0x5900  }
0x8e: {  	[tilespmem:s19], [sflag:$0x1] =	stream.indirect_vreg.gather [hbm4b:s4+s3], $0x80, v20, vm0, $0xb8;
	[tilespmem:$0x16900] =	vst v63  }
0x8f: {  	s20 =	simm.s32 $0x6100  }
0x90: {  	[tilespmem:s20], [sflag:$0x1] =	stream.indirect_vreg.gather [hbm4b:s4+s3], $0x80, v19, vm0, $0xb8;
	[tilespmem:$0x16900] =	vst v63  }
0x91: {  	v19 =	vld [tilespmem:$0x2840];
	_ =	sdelay $0x4  }
0x92: {  	v20 =	vperm.xlane v19, v0;
	_ =	sdelay $0x1  }
0x93: {  	v19 =	vperm.xlane v19, v2;
	v20 =	vadd.s32 v1, v20;
	_ =	sdelay $0x1  }
0x94: {  	v19 =	vadd.s32 v1, v19;
	_ =	sdelay $0x1  }
0x95: {  	s28 =	simm.s32 $0x6900  }
0x96: {  	[tilespmem:s28], [sflag:$0x1] =	stream.indirect_vreg.gather [hbm4b:s4+s3], $0x80, v20, vm0, $0xb8;
	[tilespmem:$0x16900] =	vst v63  }
0x97: {  	s29 =	simm.s32 $0x7100  }
0x98: {  	[tilespmem:s29], [sflag:$0x1] =	stream.indirect_vreg.gather [hbm4b:s4+s3], $0x80, v19, vm0, $0xb8;
	[tilespmem:$0x16900] =	vst v63  }
0x99: {  	v19 =	vld [tilespmem:$0x2850];
	_ =	sdelay $0x4  }
0x9a: {  	v20 =	vperm.xlane v19, v0;
	_ =	sdelay $0x1  }
0x9b: {  	v19 =	vperm.xlane v19, v2;
	v20 =	vadd.s32 v1, v20;
	_ =	sdelay $0x1  }
0x9c: {  	v19 =	vadd.s32 v1, v19;
	_ =	sdelay $0x1  }
0x9d: {  	s30 =	simm.s32 $0x7900  }
0x9e: {  	[tilespmem:s30], [sflag:$0x1] =	stream.indirect_vreg.gather [hbm4b:s4+s3], $0x80, v20, vm0, $0xb8;
	[tilespmem:$0x16900] =	vst v63  }
0x9f: {  	s31 =	simm.s32 $0x8100  }
0xa0: {  	[tilespmem:s31], [sflag:$0x1] =	stream.indirect_vreg.gather [hbm4b:s4+s3], $0x80, v19, vm0, $0xb8;
	[tilespmem:$0x16900] =	vst v63  }
0xa1: {  	v19 =	vld [tilespmem:$0x2860];
	_ =	sdelay $0x4  }
0xa2: {  	v20 =	vperm.xlane v19, v0;
	_ =	sdelay $0x1  }
0xa3: {  	v19 =	vperm.xlane v19, v2;
	v20 =	vadd.s32 v1, v20;
	_ =	sdelay $0x1  }
0xa4: {  	v19 =	vadd.s32 v1, v19;
	_ =	sdelay $0x2  }
0xa5: {  	[tilespmem:s21], [sflag:$0x1] =	stream.indirect_vreg.gather [hbm4b:s4+s3], $0x80, v20, vm0, $0xb8;
	[tilespmem:$0x16900] =	vst v63  }
0xa6: {  	_ = 	snop  }
0xa7: {  	[tilespmem:s22], [sflag:$0x1] =	stream.indirect_vreg.gather [hbm4b:s4+s3], $0x80, v19, vm0, $0xb8;
	[tilespmem:$0x16900] =	vst v63  }
0xa8: {  	v19 =	vld [tilespmem:$0x2870];
	_ =	sdelay $0x4  }
0xa9: {  	v20 =	vperm.xlane v19, v0;
	_ =	sdelay $0x1  }
0xaa: {  	v19 =	vperm.xlane v19, v2;
	v20 =	vadd.s32 v1, v20;
	_ =	sdelay $0x1  }
0xab: {  	v19 =	vadd.s32 v1, v19;
	_ =	sdelay $0x2  }
0xac: {  	[tilespmem:s23], [sflag:$0x1] =	stream.indirect_vreg.gather [hbm4b:s4+s3], $0x80, v20, vm0, $0xb8;
	[tilespmem:$0x16900] =	vst v63  }
0xad: {  	s14 =	simm.s32 $0x0  }
0xae: {  	[tilespmem:s24], [sflag:$0x1] =	stream.indirect_vreg.gather [hbm4b:s4+s3], $0x80, v19, vm0, $0xb8;
	[tilespmem:$0x16900] =	vst v63  }
.LBB2_2:
0xaf: {  	_ =	swait.ge [sflag:s25], $0x4000;
	s6 =	sshllo.u32 s14, $0x1  }
0xb0: {  	[sflag:s25] =	ssyncset.done $0x0;
	s7 =	sshll.u32 s6, $0x7  }
0xb1: {  	[sflag:s25] =	ssyncadd.s32 $0xFFFFC000;
	s7 =	sand.u32 $0x3FFFFF80, s7  }
0xb2: {  	v19 =	vld [tilespmem:s7+$0x0];
	_ =	sdelay $0x4  }
0xb3: {  	vm1 =	vgt.s32 v19, $0x7A1FF;
	v20 =	vadd.s32 $0xFFF85E00, v19  }
0xb4: {  	v19 =	vsel vm1, v20, v19  }
0xb5: {  	[tilespmem:$0x2880] =	vst v19  }
0xb6: {  	v20 =	vld [tilespmem:s7+$0x10];
	_ =	sdelay $0x4  }
0xb7: {  	vm1 =	vgt.s32 v20, $0x7A1FF;
	v21 =	vadd.s32 $0xFFF85E00, v20  }
0xb8: {  	v20 =	vsel vm1, v21, v20  }
0xb9: {  	[tilespmem:$0x2890] =	vst v20  }
0xba: {  	v20 =	vld [tilespmem:s7+$0x20];
	_ =	sdelay $0x4  }
0xbb: {  	vm1 =	vgt.s32 v20, $0x7A1FF;
	v21 =	vadd.s32 $0xFFF85E00, v20  }
0xbc: {  	v20 =	vsel vm1, v21, v20  }
0xbd: {  	[tilespmem:$0x28A0] =	vst v20  }
0xbe: {  	v20 =	vld [tilespmem:s7+$0x30];
	_ =	sdelay $0x4  }
0xbf: {  	vm1 =	vgt.s32 v20, $0x7A1FF;
	v21 =	vadd.s32 $0xFFF85E00, v20  }
0xc0: {  	v20 =	vsel vm1, v21, v20  }
0xc1: {  	[tilespmem:$0x28B0] =	vst v20  }
0xc2: {  	v20 =	vld [tilespmem:s7+$0x40];
	_ =	sdelay $0x4  }
0xc3: {  	vm1 =	vgt.s32 v20, $0x7A1FF;
	v21 =	vadd.s32 $0xFFF85E00, v20  }
0xc4: {  	v20 =	vsel vm1, v21, v20  }
0xc5: {  	[tilespmem:$0x28C0] =	vst v20  }
0xc6: {  	v20 =	vld [tilespmem:s7+$0x50];
	_ =	sdelay $0x4  }
0xc7: {  	vm1 =	vgt.s32 v20, $0x7A1FF;
	v21 =	vadd.s32 $0xFFF85E00, v20  }
0xc8: {  	v20 =	vsel vm1, v21, v20  }
0xc9: {  	[tilespmem:$0x28D0] =	vst v20  }
0xca: {  	v20 =	vld [tilespmem:s7+$0x60];
	_ =	sdelay $0x4  }
0xcb: {  	vm1 =	vgt.s32 v20, $0x7A1FF;
	v21 =	vadd.s32 $0xFFF85E00, v20  }
0xcc: {  	v20 =	vsel vm1, v21, v20  }
0xcd: {  	[tilespmem:$0x28E0] =	vst v20  }
0xce: {  	v20 =	vld [tilespmem:s7+$0x70]  }
0xcf: {  	v21 =	vperm.xlane v19, v0;
	_ =	sdelay $0x1  }
0xd0: {  	v19 =	vperm.xlane v19, v2;
	v21 =	vadd.s32 v1, v21;
	_ =	sdelay $0x1  }
0xd1: {  	v19 =	vadd.s32 v1, v19;
	vm1 =	vgt.s32 v20, $0x7A1FF;
	v22 =	vadd.s32 $0xFFF85E00, v20  }
0xd2: {  	v20 =	vsel vm1, v22, v20  }
0xd3: {  	[tilespmem:$0x28F0] =	vst v20  }
0xd4: {  	[tilespmem:s26], [sflag:$0x1] =	stream.indirect_vreg.gather [hbm4b:s4+s3], $0x80, v21, vm0, $0xb8;
	[tilespmem:$0x16900] =	vst v63  }
0xd5: {  	s8 =	simm.s32 $0xB100  }
0xd6: {  	[tilespmem:s8], [sflag:$0x1] =	stream.indirect_vreg.gather [hbm4b:s4+s3], $0x80, v19, vm0, $0xb8;
	[tilespmem:$0x16900] =	vst v63  }
0xd7: {  	v19 =	vld [tilespmem:$0x2890];
	_ =	sdelay $0x4  }
0xd8: {  	v20 =	vperm.xlane v19, v0;
	_ =	sdelay $0x1  }
0xd9: {  	v19 =	vperm.xlane v19, v2;
	v20 =	vadd.s32 v1, v20;
	_ =	sdelay $0x1  }
0xda: {  	v19 =	vadd.s32 v1, v19;
	_ =	sdelay $0x1  }
0xdb: {  	s11 =	simm.s32 $0xB900  }
0xdc: {  	[tilespmem:s11], [sflag:$0x1] =	stream.indirect_vreg.gather [hbm4b:s4+s3], $0x80, v20, vm0, $0xb8;
	[tilespmem:$0x16900] =	vst v63  }
0xdd: {  	s15 =	simm.s32 $0xC100  }
0xde: {  	[tilespmem:s15], [sflag:$0x1] =	stream.indirect_vreg.gather [hbm4b:s4+s3], $0x80, v19, vm0, $0xb8;
	[tilespmem:$0x16900] =	vst v63  }
0xdf: {  	v19 =	vld [tilespmem:$0x28A0];
	_ =	sdelay $0x4  }
0xe0: {  	v20 =	vperm.xlane v19, v0;
	_ =	sdelay $0x1  }
0xe1: {  	v19 =	vperm.xlane v19, v2;
	v20 =	vadd.s32 v1, v20;
	_ =	sdelay $0x1  }
0xe2: {  	v19 =	vadd.s32 v1, v19;
	_ =	sdelay $0x1  }
0xe3: {  	s16 =	simm.s32 $0xC900  }
0xe4: {  	[tilespmem:s16], [sflag:$0x1] =	stream.indirect_vreg.gather [hbm4b:s4+s3], $0x80, v20, vm0, $0xb8;
	[tilespmem:$0x16900] =	vst v63  }
0xe5: {  	s17 =	simm.s32 $0xD100  }
0xe6: {  	[tilespmem:s17], [sflag:$0x1] =	stream.indirect_vreg.gather [hbm4b:s4+s3], $0x80, v19, vm0, $0xb8;
	[tilespmem:$0x16900] =	vst v63  }
0xe7: {  	v19 =	vld [tilespmem:$0x28B0];
	_ =	sdelay $0x4  }
0xe8: {  	v20 =	vperm.xlane v19, v0;
	_ =	sdelay $0x1  }
0xe9: {  	v19 =	vperm.xlane v19, v2;
	v20 =	vadd.s32 v1, v20;
	_ =	sdelay $0x1  }
0xea: {  	v19 =	vadd.s32 v1, v19;
	_ =	sdelay $0x1  }
0xeb: {  	s18 =	simm.s32 $0xD900  }
0xec: {  	[tilespmem:s18], [sflag:$0x1] =	stream.indirect_vreg.gather [hbm4b:s4+s3], $0x80, v20, vm0, $0xb8;
	[tilespmem:$0x16900] =	vst v63  }
0xed: {  	s19 =	simm.s32 $0xE100  }
0xee: {  	[tilespmem:s19], [sflag:$0x1] =	stream.indirect_vreg.gather [hbm4b:s4+s3], $0x80, v19, vm0, $0xb8;
	[tilespmem:$0x16900] =	vst v63  }
0xef: {  	v19 =	vld [tilespmem:$0x28C0];
	_ =	sdelay $0x4  }
0xf0: {  	v20 =	vperm.xlane v19, v0;
	_ =	sdelay $0x1  }
0xf1: {  	v19 =	vperm.xlane v19, v2;
	v20 =	vadd.s32 v1, v20;
	_ =	sdelay $0x1  }
0xf2: {  	v19 =	vadd.s32 v1, v19;
	_ =	sdelay $0x1  }
0xf3: {  	s20 =	simm.s32 $0xE900  }
0xf4: {  	[tilespmem:s20], [sflag:$0x1] =	stream.indirect_vreg.gather [hbm4b:s4+s3], $0x80, v20, vm0, $0xb8;
	[tilespmem:$0x16900] =	vst v63  }
0xf5: {  	s31 =	simm.s32 $0xF100  }
0xf6: {  	[tilespmem:s31], [sflag:$0x1] =	stream.indirect_vreg.gather [hbm4b:s4+s3], $0x80, v19, vm0, $0xb8;
	[tilespmem:$0x16900] =	vst v63  }
0xf7: {  	v19 =	vld [tilespmem:$0x28D0];
	_ =	sdelay $0x4  }
0xf8: {  	v20 =	vperm.xlane v19, v0;
	_ =	sdelay $0x1  }
0xf9: {  	v19 =	vperm.xlane v19, v2;
	v20 =	vadd.s32 v1, v20;
	_ =	sdelay $0x1  }
0xfa: {  	v19 =	vadd.s32 v1, v19;
	_ =	sdelay $0x1  }
0xfb: {  	s10 =	simm.s32 $0xF900  }
0xfc: {  	[tilespmem:s10], [sflag:$0x1] =	stream.indirect_vreg.gather [hbm4b:s4+s3], $0x80, v20, vm0, $0xb8;
	[tilespmem:$0x16900] =	vst v63  }
0xfd: {  	s11 =	simm.s32 $0x10100  }
0xfe: {  	[tilespmem:s11], [sflag:$0x1] =	stream.indirect_vreg.gather [hbm4b:s4+s3], $0x80, v19, vm0, $0xb8;
	[tilespmem:$0x16900] =	vst v63  }
0xff: {  	v19 =	vld [tilespmem:$0x28E0];
	_ =	sdelay $0x4  }
0x100: {  	v20 =	vperm.xlane v19, v0;
	_ =	sdelay $0x1  }
0x101: {  	v19 =	vperm.xlane v19, v2;
	v20 =	vadd.s32 v1, v20;
	_ =	sdelay $0x1  }
0x102: {  	v19 =	vadd.s32 v1, v19;
	_ =	sdelay $0x1  }
0x103: {  	s15 =	simm.s32 $0x10900  }
0x104: {  	[tilespmem:s15], [sflag:$0x1] =	stream.indirect_vreg.gather [hbm4b:s4+s3], $0x80, v20, vm0, $0xb8;
	[tilespmem:$0x16900] =	vst v63  }
0x105: {  	s16 =	simm.s32 $0x11100  }
0x106: {  	[tilespmem:s16], [sflag:$0x1] =	stream.indirect_vreg.gather [hbm4b:s4+s3], $0x80, v19, vm0, $0xb8;
	[tilespmem:$0x16900] =	vst v63  }
0x107: {  	v19 =	vld [tilespmem:$0x28F0];
	_ =	sdelay $0x4  }
0x108: {  	v20 =	vperm.xlane v19, v0;
	_ =	sdelay $0x1  }
0x109: {  	v19 =	vperm.xlane v19, v2;
	v20 =	vadd.s32 v1, v20;
	_ =	sdelay $0x1  }
0x10a: {  	v19 =	vadd.s32 v1, v19;
	_ =	sdelay $0x1  }
0x10b: {  	p0 =	seq.s32 s14, $0x0;
	s17 =	simm.s32 $0x11900  }
0x10c: {  	[tilespmem:s17], [sflag:$0x1] =	stream.indirect_vreg.gather [hbm4b:s4+s3], $0x80, v20, vm0, $0xb8;
	[tilespmem:$0x16900] =	vst v63  }
0x10d: {  	s8 =	simm.s32 @!p0 $0x2;
	s18 =	simm.s32 $0x12100  }
0x10e: {  	[tilespmem:s18], [sflag:$0x1] =	stream.indirect_vreg.gather [hbm4b:s4+s3], $0x80, v19, vm0, $0xb8;
	[tilespmem:$0x16900] =	vst v63  }
0x10f: {  	_ =	swait.ge @!p0 [sflag:s8], $0x2000  }
0x110: {  	s10 =	sshll.u32 s14, $0x8;
	[sflag:s8] =	ssyncset.done @!p0 $0x0  }
0x111: {  	s19 =	sand.u32 $0x3FFFFF00, s10;
	[sflag:s8] =	ssyncadd.s32 @!p0 $0xFFFFE000  }
0x112: {  	v19 =	vld [tilespmem:s19+$0x0];
	_ =	sdelay $0x4  }
0x113: {  	vm1 =	vgt.s32 v19, $0x7A1FF  }
0x114: {  	s11 =	simm.s32 $0x3;
	v19 =	vld [tilespmem:s19+$0x10];
	v26 =	vsel vm1, v4, v3  }
0x115: {  	s20 =	simm.s32 $0x1;
	v21 =	vor.u32 s11, v26  }
0x116: {  	s18 =	simm.s32 $0x2;
	v20 =	vld [tilespmem:s19+$0x20];
	v22 =	vor.u32 s20, v26  }
0x117: {  	v23 =	vld [tilespmem:s19+$0x30];
	v27 =	vor.u32 s18, v26  }
0x118: {  	s31 =	simm.s32 $0x0;
	v25 =	vld [tilespmem:s19+$0x40]  }
0x119: {  	v28 =	vld [tilespmem:s19+$0x50];
	vm1 =	vgt.s32 v19, $0x7A1FF;
	v19 =	vor.u32 s31, v26  }
0x11a: {  	v24 =	vsel vm1, v6, v5;
	v21 =	vld.idx.msk [tilespmem:v21+s9+$0x0], $0xffff  }
0x11b: {  	v30 =	vld.idx.msk [tilespmem:v22+s9+$0x0], $0xffff;
	v31 =	vor.u32 s11, v24  }
0x11c: {  	v27 =	vld.idx.msk [tilespmem:v27+s9+$0x0], $0xffff;
	v32 =	vor.u32 s20, v24  }
0x11d: {  	s8 =	simm.s32 $0x4;
	v29 =	vld [tilespmem:s19+$0x60];
	v34 =	vor.u32 s18, v24  }
0x11e: {  	s29 =	simm.s32 $0x12A00;
	v35 =	vor.u32 s8, v26;
	v19 =	vld.idx.msk [tilespmem:v19+s9+$0x0], $0xffff  }
0x11f: {  	v33 =	vld [tilespmem:s19+$0x70];
	vm1 =	vgt.s32 v20, $0x7A1FF;
	v20 =	vor.u32 s31, v24;
	[tilespmem:s29+$0x80] =	vst v21  }
0x120: {  	v22 =	vsel vm1, v8, v7;
	[tilespmem:s29+$0xFFFFFF80] =	vst v30;
	v21 =	vld.idx.msk [tilespmem:v31+s9+$0x0], $0xffff  }
0x121: {  	[tilespmem:s29+$0x0] =	vst v27;
	v27 =	vor.u32 s11, v22;
	v30 =	vld.idx.msk [tilespmem:v32+s9+$0x0], $0xffff  }
0x122: {  	v39 =	vor.u32 s20, v22;
	v31 =	vld.idx.msk [tilespmem:v34+s9+$0x0], $0xffff  }
0x123: {  	v35 =	vld.idx.msk [tilespmem:v35+s9+$0x0], $0xffff;
	[tilespmem:s29+$0xFFFFFF00] =	vst v19;
	v19 =	vor.u32 s18, v22  }
0x124: {  	v49 =	vor.u32 s8, v24;
	v40 =	vld.idx.msk [tilespmem:v20+s9+$0x0], $0xffff  }
0x125: {  	vm1 =	vgt.s32 v23, $0x7A1FF;
	v23 =	vor.u32 s31, v22;
	[tilespmem:s29+$0x90] =	vst v21  }
0x126: {  	v20 =	vsel vm1, v10, v9;
	[tilespmem:s29+$0xFFFFFF90] =	vst v30;
	v21 =	vld.idx.msk [tilespmem:v27+s9+$0x0], $0xffff  }
0x127: {  	s28 =	simm.s32 $0x12C00;
	[tilespmem:s29+$0x10] =	vst v31;
	v30 =	vor.u32 s11, v20;
	v27 =	vld.idx.msk [tilespmem:v39+s9+$0x0], $0xffff  }
0x128: {  	[tilespmem:s28+$0xFFFFFF00] =	vst v35;
	v41 =	vor.u32 s20, v20;
	v31 =	vld.idx.msk [tilespmem:v19+s9+$0x0], $0xffff  }
0x129: {  	v35 =	vld.idx.msk [tilespmem:v49+s9+$0x0], $0xffff;
	v42 =	vor.u32 s18, v20;
	[tilespmem:s29+$0xFFFFFF10] =	vst v40  }
0x12a: {  	v56 =	vor.u32 s8, v22;
	v23 =	vld.idx.msk [tilespmem:v23+s9+$0x0], $0xffff  }
0x12b: {  	s16 =	simm.s32 $0x5;
	vm1 =	vgt.s32 v25, $0x7A1FF;
	v25 =	vor.u32 s31, v20;
	[tilespmem:s29+$0xA0] =	vst v21  }
0x12c: {  	v19 =	vsel vm1, v12, v11;
	v21 =	vor.u32 s16, v26;
	[tilespmem:s29+$0xFFFFFFA0] =	vst v27;
	v27 =	vld.idx.msk [tilespmem:v30+s9+$0x0], $0xffff  }
0x12d: {  	v30 =	vld.idx.msk [tilespmem:v41+s9+$0x0], $0xffff;
	[tilespmem:s29+$0x20] =	vst v31;
	v31 =	vor.u32 s11, v19  }
0x12e: {  	[tilespmem:s28+$0xFFFFFF10] =	vst v35;
	v44 =	vor.u32 s20, v19;
	v43 =	vld.idx.msk [tilespmem:v42+s9+$0x0], $0xffff  }
0x12f: {  	s30 =	simm.s32 $0x7;
	v60 =	vld.idx.msk [tilespmem:v56+s9+$0x0], $0xffff;
	[tilespmem:s29+$0xFFFFFF20] =	vst v23;
	v23 =	vor.u32 s18, v19  }
0x130: {  	v36 =	vor.u32 s30, v26;
	v25 =	vld.idx.msk [tilespmem:v25+s9+$0x0], $0xffff  }
0x131: {  	s15 =	simm.s32 $0x8;
	vm1 =	vgt.s32 v28, $0x7A1FF;
	v28 =	vld.idx.msk [tilespmem:v21+s9+$0x0], $0xffff;
	[tilespmem:s29+$0xB0] =	vst v27;
	v27 =	vor.u32 s31, v19  }
0x132: {  	v39 =	vor.u32 s15, v26;
	[tilespmem:s29+$0xFFFFFFB0] =	vst v30;
	v30 =	vld.idx.msk [tilespmem:v31+s9+$0x0], $0xffff  }
0x133: {  	s17 =	simm.s32 $0x6;
	v21 =	vsel vm1, v14, v13;
	vm1 =	vgt.s32 v29, $0x7A1FF;
	v29 =	vor.u32 s16, v24;
	v34 =	vld.idx.msk [tilespmem:v44+s9+$0x0], $0xffff;
	[tilespmem:s29+$0x30] =	vst v43  }
0x134: {  	v31 =	vor.u32 s17, v26;
	v37 =	vld.idx.msk [tilespmem:v23+s9+$0x0], $0xffff  }
0x135: {  	v45 =	vor.u32 s11, v21;
	[tilespmem:s29+$0xFFFFFF30] =	vst v25;
	v25 =	vld.idx.msk [tilespmem:v36+s9+$0x0], $0xffff  }
0x136: {  	v41 =	vor.u32 s30, v24;
	v40 =	vld.idx.msk [tilespmem:v27+s9+$0x0], $0xffff  }
0x137: {  	v46 =	vor.u32 s18, v21;
	[tilespmem:s28+$0xFFFFFF80] =	vst v28;
	v27 =	vld.idx.msk [tilespmem:v39+s9+$0x0], $0xffff  }
0x138: {  	v38 =	vor.u32 s20, v21;
	v29 =	vld.idx.msk [tilespmem:v29+s9+$0x0], $0xffff;
	[tilespmem:s29+$0xC0] =	vst v30  }
0x139: {  	v50 =	vor.u32 s31, v21;
	v31 =	vld.idx.msk [tilespmem:v31+s9+$0x0], $0xffff;
	[tilespmem:s29+$0xFFFFFFC0] =	vst v34  }
0x13a: {  	v47 =	vor.u32 s17, v24;
	v23 =	vsel vm1, v16, v15;
	v30 =	vld.idx.msk [tilespmem:v45+s9+$0x0], $0xffff;
	[tilespmem:s28+$0x80] =	vst v25  }
0x13b: {  	v48 =	vor.u32 s11, v23;
	[tilespmem:s29+$0x40] =	vst v37;
	v28 =	vld.idx.msk [tilespmem:v41+s9+$0x0], $0xffff  }
0x13c: {  	v51 =	vor.u32 s30, v22;
	v36 =	vld.idx.msk [tilespmem:v46+s9+$0x0], $0xffff;
	[tilespmem:s29+$0xFFFFFF40] =	vst v40  }
0x13d: {  	v34 =	vld.idx.msk [tilespmem:v38+s9+$0x0], $0xffff;
	[tilespmem:s28+$0xFFFFFF90] =	vst v29;
	v29 =	vor.u32 s18, v23  }
0x13e: {  	[tilespmem:s28+$0x0] =	vst v31;
	v31 =	vor.u32 s20, v23;
	v54 =	vld.idx.msk [tilespmem:v50+s9+$0x0], $0xffff  }
0x13f: {  	vm1 =	vgt.s32 v33, $0x7A1FF;
	v32 =	vld.idx.msk [tilespmem:v47+s9+$0x0], $0xffff;
	[tilespmem:s29+$0xD0] =	vst v30;
	v30 =	vor.u32 s16, v22  }
0x140: {  	v53 =	vor.u32 s17, v22;
	v25 =	vsel vm1, v18, v17;
	v52 =	vld.idx.msk [tilespmem:v48+s9+$0x0], $0xffff;
	[tilespmem:s28+$0x90] =	vst v28  }
0x141: {  	s19 =	simm.s32 $0x9;
	v55 =	vor.u32 s11, v25;
	[tilespmem:s29+$0x50] =	vst v36;
	v28 =	vld.idx.msk [tilespmem:v51+s9+$0x0], $0xffff  }
0x142: {  	v62 =	vor.u32 s19, v26;
	[tilespmem:s29+$0xFFFFFFD0] =	vst v34;
	v42 =	vld.idx.msk [tilespmem:v29+s9+$0x0], $0xffff  }
0x143: {  	v57 =	vld.idx.msk [tilespmem:v31+s9+$0x0], $0xffff;
	v31 =	vor.u32 s31, v23  }
0x144: {  	v58 =	vor.u32 s30, v20;
	v30 =	vld.idx.msk [tilespmem:v30+s9+$0x0], $0xffff;
	[tilespmem:s28+$0x10] =	vst v32  }
0x145: {  	v59 =	vor.u32 s16, v20;
	v32 =	vld.idx.msk [tilespmem:v53+s9+$0x0], $0xffff;
	[tilespmem:s29+$0xE0] =	vst v52  }
0x146: {  	v61 =	vor.u32 s17, v20;
	[tilespmem:s29+$0xFFFFFF50] =	vst v54;
	v34 =	vld.idx.msk [tilespmem:v55+s9+$0x0], $0xffff  }
0x147: {  	v43 =	vor.u32 s20, v25;
	[tilespmem:s28+$0xA0] =	vst v28;
	v28 =	vld.idx.msk [tilespmem:v62+s9+$0x0], $0xffff  }
0x148: {  	v63 =	vor.u32 s8, v20;
	[tilespmem:s28+$0xFFFFFF20] =	vst v60;
	v29 =	vld.idx.msk [tilespmem:v31+s9+$0x0], $0xffff  }
0x149: {  	v39 =	vor.u32 s18, v25;
	v33 =	vld.idx.msk [tilespmem:v58+s9+$0x0], $0xffff;
	[tilespmem:s28+$0xFFFFFFA0] =	vst v30  }
0x14a: {  	v36 =	vor.u32 s30, v19;
	v31 =	vld.idx.msk [tilespmem:v59+s9+$0x0], $0xffff;
	[tilespmem:s28+$0x20] =	vst v32  }
0x14b: {  	v37 =	vor.u32 s16, v19;
	[tilespmem:s29+$0xFFFFFFE0] =	vst v57;
	v30 =	vld.idx.msk [tilespmem:v61+s9+$0x0], $0xffff  }
0x14c: {  	[tilespmem:s29+$0x60] =	vst v42;
	v35 =	vld.idx.msk [tilespmem:v43+s9+$0x0], $0xffff;
	v32 =	vor.u32 s17, v19  }
0x14d: {  	s10 =	simm.s32 $0xC;
	v38 =	vor.u32 s31, v25;
	s18 =	sshll.u32 s14, $0x1;
	s20 =	simm.s32 $0xB;
	[tilespmem:s29+$0xF0] =	vst v34;
	v34 =	vld.idx.msk [tilespmem:v63+s9+$0x0], $0xffff  }
.LBB2_3:
0x14e: {  	p1 =	slt.u32 s10, $0x3C;
	v40 =	vor.u32 s20, v26;
	[tilespmem:s28+$0xB0] =	vst v33;
	v33 =	vld.idx.msk [tilespmem:v39+s9+$0x0], $0xffff;
	s11 =	smov.u32 s15;
	s15 =	smov.u32 s10  }
0x14f: {  	v39 =	vor.u32 s8, v19;
	s31 =	sadd.s32 $0x2, s11;
	[tilespmem:s28+$0xFFFFFFB0] =	vst v31;
	v31 =	vld.idx.msk [tilespmem:v36+s9+$0x0], $0xffff  }
0x150: {  	v36 =	vor.u32 s31, v26;
	v37 =	vld.idx.msk [tilespmem:v37+s9+$0x0], $0xffff;
	[tilespmem:s28+$0x30] =	vst v30  }
0x151: {  	v30 =	vld.idx.msk [tilespmem:v32+s9+$0x0], $0xffff;
	v32 =	vor.u32 s30, v21;
	[tilespmem:s29+$0xFFFFFF60] =	vst v29  }
0x152: {  	v29 =	vor.u32 s16, v21;
	[tilespmem:s28+$0xFFFFFF30] =	vst v34;
	v34 =	vld.idx.msk [tilespmem:v38+s9+$0x0], $0xffff  }
0x153: {  	v38 =	vld.idx.msk [tilespmem:v40+s9+$0x0], $0xffff;
	v40 =	vor.u32 s17, v21;
	[tilespmem:s29+$0xFFFFFFF0] =	vst v35  }
0x154: {  	v35 =	vor.u32 s10, v26;
	v39 =	vld.idx.msk [tilespmem:v39+s9+$0x0], $0xffff;
	[tilespmem:s29+$0x70] =	vst v33  }
0x155: {  	v33 =	vld.idx.msk [tilespmem:v36+s9+$0x0], $0xffff;
	v36 =	vor.u32 s20, v24;
	[tilespmem:s28+$0xC0] =	vst v31  }
0x156: {  	v31 =	vor.u32 s19, v24;
	[tilespmem:s28+$0xFFFFFFC0] =	vst v37;
	v32 =	vld.idx.msk [tilespmem:v32+s9+$0x0], $0xffff  }
0x157: {  	v37 =	vor.u32 s31, v24;
	v29 =	vld.idx.msk [tilespmem:v29+s9+$0x0], $0xffff;
	[tilespmem:s28+$0x40] =	vst v30  }
0x158: {  	v30 =	vld.idx.msk [tilespmem:v40+s9+$0x0], $0xffff;
	v40 =	vor.u32 s30, v23;
	[tilespmem:s29+$0xFFFFFF70] =	vst v34;
	s29 =	smov.u32 s28;
	s28 =	sadd.s32 $0x200, s28  }
0x159: {  	v34 =	vld.idx.msk [tilespmem:v35+s9+$0x0], $0xffff;
	v35 =	vor.u32 s11, v24;
	[tilespmem:s28+$0x80] =	vst v38  }
0x15a: {  	[tilespmem:s28+$0xFFFFFF80] =	vst v28;
	v28 =	vld.idx.msk [tilespmem:v36+s9+$0x0], $0xffff;
	v36 =	vor.u32 s8, v21  }
0x15b: {  	v31 =	vld.idx.msk [tilespmem:v31+s9+$0x0], $0xffff;
	[tilespmem:s28+$0x0] =	vst v33;
	v33 =	vor.u32 s16, v23  }
0x15c: {  	v38 =	vor.u32 s20, v22;
	v37 =	vld.idx.msk [tilespmem:v37+s9+$0x0], $0xffff;
	[tilespmem:s29+$0xD0] =	vst v32  }
0x15d: {  	v32 =	vor.u32 s19, v22;
	[tilespmem:s28+$0xFFFFFF00] =	vst v27;
	v40 =	vld.idx.msk [tilespmem:v40+s9+$0x0], $0xffff  }
0x15e: {  	v41 =	vor.u32 s31, v22;
	v35 =	vld.idx.msk [tilespmem:v35+s9+$0x0], $0xffff;
	[tilespmem:s29+$0xFFFFFF40] =	vst v39  }
0x15f: {  	v27 =	vmov v34;
	v36 =	vld.idx.msk [tilespmem:v36+s9+$0x0], $0xffff;
	[tilespmem:s29+$0xFFFFFFD0] =	vst v29;
	v29 =	vor.u32 s30, v25;
	s30 =	smov.u32 s20  }
0x160: {  	v34 =	vor.u32 s11, v22;
	[tilespmem:s28+$0x90] =	vst v28;
	v42 =	vld.idx.msk [tilespmem:v33+s9+$0x0], $0xffff  }
0x161: {  	[tilespmem:s28+$0xFFFFFF90] =	vst v31;
	v28 =	vld.idx.msk [tilespmem:v38+s9+$0x0], $0xffff;
	v31 =	vor.u32 s17, v23  }
0x162: {  	v33 =	vor.u32 s8, v23;
	v32 =	vld.idx.msk [tilespmem:v32+s9+$0x0], $0xffff;
	[tilespmem:s28+$0x10] =	vst v37  }
0x163: {  	v38 =	vor.u32 s30, v20;
	v37 =	vld.idx.msk [tilespmem:v41+s9+$0x0], $0xffff;
	[tilespmem:s29+$0xE0] =	vst v40  }
0x164: {  	[tilespmem:s28+$0xFFFFFF10] =	vst v35;
	v35 =	vor.u32 s19, v20;
	v40 =	vld.idx.msk [tilespmem:v29+s9+$0x0], $0xffff  }
0x165: {  	s20 =	sadd.s32 $0x1, s10;
	v41 =	vor.u32 s31, v20;
	v34 =	vld.idx.msk [tilespmem:v34+s9+$0x0], $0xffff;
	[tilespmem:s29+$0x50] =	vst v30  }
0x166: {  	v43 =	vor.u32 s20, v26;
	[tilespmem:s29+$0xFFFFFF50] =	vst v36;
	v44 =	vld.idx.msk [tilespmem:v31+s9+$0x0], $0xffff  }
0x167: {  	v45 =	vor.u32 s11, v20;
	[tilespmem:s28+$0xA0] =	vst v28;
	v29 =	vld.idx.msk [tilespmem:v33+s9+$0x0], $0xffff  }
0x168: {  	v46 =	vor.u32 s16, v25;
	s16 =	smov.u32 s19;
	s19 =	smov.u32 s20;
	[tilespmem:s28+$0xFFFFFFA0] =	vst v32;
	v33 =	vld.idx.msk [tilespmem:v38+s9+$0x0], $0xffff  }
.Ltmp0:
0x169: {  	v39 =	vor.u32 s17, v25;
	s17 =	smov.u32 s31;
	v31 =	vld.idx.msk [tilespmem:v35+s9+$0x0], $0xffff;
	[tilespmem:s28+$0x20] =	vst v37;
	(pc) =	sbr.rel @p1 .LBB2_3-.Ltmp0, $4  }
0x16a: {  	v36 =	vor.u32 s30, v19;
	v30 =	vld.idx.msk [tilespmem:v41+s9+$0x0], $0xffff;
	[tilespmem:s29+$0xF0] =	vst v40  }
0x16b: {  	v37 =	vor.u32 s16, v19;
	v28 =	vld.idx.msk [tilespmem:v43+s9+$0x0], $0xffff;
	[tilespmem:s28+$0xFFFFFF20] =	vst v34  }
0x16c: {  	v32 =	vor.u32 s17, v19;
	v34 =	vld.idx.msk [tilespmem:v45+s9+$0x0], $0xffff;
	[tilespmem:s29+$0xFFFFFFE0] =	vst v42  }
0x16d: {  	s10 =	sadd.s32 $0x4, s10;
	s20 =	sadd.s32 $0x3, s15;
	v38 =	vor.u32 s8, v25;
	s8 =	smov.u32 s11;
	v35 =	vld.idx.msk [tilespmem:v46+s9+$0x0], $0xffff;
	[tilespmem:s29+$0x60] =	vst v44  }
0x16e: {  	_ =	sdelay $0x1  }
0x16f: {  	v40 =	vor.u32 s20, v26;
	[tilespmem:s28+$0xB0] =	vst v33  }
0x170: {  	s11 =	sadd.s32 $0x2, s15;
	[tilespmem:s28+$0xFFFFFFB0] =	vst v31  }
0x171: {  	[tilespmem:s29+$0xFFFFFF60] =	vst v29;
	v31 =	vld.idx.msk [tilespmem:v36+s9+$0x0], $0xffff;
	v26 =	vor.u32 s11, v26  }
0x172: {  	s10 =	sadd.s32 $0x200, s28;
	[tilespmem:s28+$0x30] =	vst v30;
	v30 =	vld.idx.msk [tilespmem:v37+s9+$0x0], $0xffff  }
0x173: {  	v29 =	vld.idx.msk [tilespmem:v38+s9+$0x0], $0xffff;
	[tilespmem:s10+$0xFFFFFF00] =	vst v27  }
0x174: {  	v41 =	vor.u32 s30, v21;
	[tilespmem:s10+$0xFFFFFF80] =	vst v28;
	v42 =	vld.idx.msk [tilespmem:v40+s9+$0x0], $0xffff  }
0x175: {  	v43 =	vor.u32 s20, v24;
	[tilespmem:s28+$0xFFFFFF30] =	vst v34  }
0x176: {  	v26 =	vld.idx.msk [tilespmem:v26+s9+$0x0], $0xffff;
	[tilespmem:s28+$0xC0] =	vst v31;
	v31 =	vor.u32 s19, v24  }
0x177: {  	v63 =	vld.idx.msk [tilespmem:v39+s9+$0x0], $0xffff;
	[tilespmem:s28+$0xFFFFFFC0] =	vst v30;
	v30 =	vor.u32 s11, v24  }
0x178: {  	v32 =	vld.idx.msk [tilespmem:v32+s9+$0x0], $0xffff;
	[tilespmem:s29+$0xFFFFFF70] =	vst v29;
	v24 =	vor.u32 s15, v24  }
0x179: {  	v29 =	vor.u32 s8, v19;
	v34 =	vld.idx.msk [tilespmem:v41+s9+$0x0], $0xffff;
	[tilespmem:s10+$0x80] =	vst v42  }
0x17a: {  	v44 =	vor.u32 s16, v21;
	[tilespmem:s29+$0xFFFFFFF0] =	vst v35;
	v28 =	vld.idx.msk [tilespmem:v43+s9+$0x0], $0xffff  }
0x17b: {  	v31 =	vld.idx.msk [tilespmem:v31+s9+$0x0], $0xffff;
	[tilespmem:s10+$0x0] =	vst v26;
	v26 =	vor.u32 s20, v22  }
0x17c: {  	v27 =	vor.u32 s19, v22;
	[tilespmem:s29+$0x70] =	vst v63;
	v30 =	vld.idx.msk [tilespmem:v30+s9+$0x0], $0xffff  }
0x17d: {  	v45 =	vor.u32 s11, v22;
	[tilespmem:s28+$0x40] =	vst v32;
	v24 =	vld.idx.msk [tilespmem:v24+s9+$0x0], $0xffff  }
0x17e: {  	v29 =	vld.idx.msk [tilespmem:v29+s9+$0x0], $0xffff;
	v22 =	vor.u32 s15, v22;
	[tilespmem:s28+$0xD0] =	vst v34  }
0x17f: {  	v47 =	vor.u32 s30, v23;
	v46 =	vld.idx.msk [tilespmem:v44+s9+$0x0], $0xffff;
	[tilespmem:s10+$0x90] =	vst v28  }
0x180: {  	v28 =	vor.u32 s17, v21;
	[tilespmem:s10+$0xFFFFFF90] =	vst v31;
	v26 =	vld.idx.msk [tilespmem:v26+s9+$0x0], $0xffff  }
0x181: {  	v27 =	vld.idx.msk [tilespmem:v27+s9+$0x0], $0xffff;
	[tilespmem:s10+$0x10] =	vst v30;
	v30 =	vor.u32 s20, v20  }
0x182: {  	[tilespmem:s10+$0xFFFFFF10] =	vst v24;
	v24 =	vor.u32 s19, v20;
	v31 =	vld.idx.msk [tilespmem:v45+s9+$0x0], $0xffff  }
0x183: {  	[tilespmem:s28+$0xFFFFFF40] =	vst v29;
	v29 =	vor.u32 s11, v20;
	v22 =	vld.idx.msk [tilespmem:v22+s9+$0x0], $0xffff  }
0x184: {  	[tilespmem:s28+$0xFFFFFFD0] =	vst v46;
	v48 =	vld.idx.msk [tilespmem:v47+s9+$0x0], $0xffff;
	v20 =	vor.u32 s15, v20  }
0x185: {  	v49 =	vor.u32 s8, v21;
	v28 =	vld.idx.msk [tilespmem:v28+s9+$0x0], $0xffff;
	[tilespmem:s10+$0xA0] =	vst v26  }
0x186: {  	v26 =	vor.u32 s30, v25;
	[tilespmem:s10+$0xFFFFFFA0] =	vst v27;
	v27 =	vld.idx.msk [tilespmem:v30+s9+$0x0], $0xffff  }
0x187: {  	v24 =	vld.idx.msk [tilespmem:v24+s9+$0x0], $0xffff;
	[tilespmem:s10+$0x20] =	vst v31;
	v30 =	vor.u32 s20, v19  }
0x188: {  	[tilespmem:s10+$0xFFFFFF20] =	vst v22;
	v22 =	vor.u32 s19, v19;
	v29 =	vld.idx.msk [tilespmem:v29+s9+$0x0], $0xffff  }
0x189: {  	[tilespmem:s28+$0xE0] =	vst v48;
	v20 =	vld.idx.msk [tilespmem:v20+s9+$0x0], $0xffff;
	v31 =	vor.u32 s11, v19  }
0x18a: {  	v50 =	vld.idx.msk [tilespmem:v49+s9+$0x0], $0xffff;
	v19 =	vor.u32 s15, v19;
	[tilespmem:s28+$0x50] =	vst v28  }
0x18b: {  	v28 =	vor.u32 s16, v23;
	v26 =	vld.idx.msk [tilespmem:v26+s9+$0x0], $0xffff;
	[tilespmem:s10+$0xB0] =	vst v27  }
0x18c: {  	v27 =	vor.u32 s17, v23;
	[tilespmem:s10+$0xFFFFFFB0] =	vst v24;
	v24 =	vld.idx.msk [tilespmem:v30+s9+$0x0], $0xffff  }
0x18d: {  	v22 =	vld.idx.msk [tilespmem:v22+s9+$0x0], $0xffff;
	[tilespmem:s10+$0x30] =	vst v29;
	v29 =	vor.u32 s20, v21  }
0x18e: {  	[tilespmem:s10+$0xFFFFFF30] =	vst v20;
	v20 =	vor.u32 s19, v21;
	v30 =	vld.idx.msk [tilespmem:v31+s9+$0x0], $0xffff  }
0x18f: {  	[tilespmem:s28+$0xFFFFFF50] =	vst v50;
	v19 =	vld.idx.msk [tilespmem:v19+s9+$0x0], $0xffff;
	v31 =	vor.u32 s11, v21  }
0x190: {  	v21 =	vor.u32 s15, v21;
	v28 =	vld.idx.msk [tilespmem:v28+s9+$0x0], $0xffff;
	[tilespmem:s28+$0xF0] =	vst v26  }
0x191: {  	v26 =	vor.u32 s8, v23;
	v27 =	vld.idx.msk [tilespmem:v27+s9+$0x0], $0xffff;
	[tilespmem:s10+$0xC0] =	vst v24  }
0x192: {  	v24 =	vor.u32 s16, v25;
	[tilespmem:s10+$0xFFFFFFC0] =	vst v22;
	v22 =	vld.idx.msk [tilespmem:v29+s9+$0x0], $0xffff  }
0x193: {  	v20 =	vld.idx.msk [tilespmem:v20+s9+$0x0], $0xffff;
	[tilespmem:s10+$0x40] =	vst v30;
	v29 =	vor.u32 s20, v23  }
0x194: {  	[tilespmem:s10+$0xFFFFFF40] =	vst v19;
	v30 =	vld.idx.msk [tilespmem:v31+s9+$0x0], $0xffff;
	v31 =	vor.u32 s19, v23  }
0x195: {  	v19 =	vld.idx.msk [tilespmem:v21+s9+$0x0], $0xffff;
	v21 =	vor.u32 s11, v23;
	[tilespmem:s28+$0xFFFFFFE0] =	vst v28  }
0x196: {  	v23 =	vor.u32 s15, v23;
	v26 =	vld.idx.msk [tilespmem:v26+s9+$0x0], $0xffff;
	[tilespmem:s28+$0x60] =	vst v27  }
0x197: {  	v27 =	vor.u32 s17, v25;
	v24 =	vld.idx.msk [tilespmem:v24+s9+$0x0], $0xffff;
	[tilespmem:s10+$0xD0] =	vst v22  }
0x198: {  	v22 =	vor.u32 s8, v25;
	[tilespmem:s10+$0xFFFFFFD0] =	vst v20;
	v28 =	vld.idx.msk [tilespmem:v29+s9+$0x0], $0xffff  }
0x199: {  	v20 =	vor.u32 s20, v25;
	v29 =	vld.idx.msk [tilespmem:v31+s9+$0x0], $0xffff;
	[tilespmem:s10+$0x50] =	vst v30  }
0x19a: {  	[tilespmem:s10+$0xFFFFFF50] =	vst v19;
	v19 =	vld.idx.msk [tilespmem:v21+s9+$0x0], $0xffff;
	v21 =	vor.u32 s19, v25  }
0x19b: {  	v23 =	vld.idx.msk [tilespmem:v23+s9+$0x0], $0xffff;
	[tilespmem:s28+$0xFFFFFF60] =	vst v26;
	v26 =	vor.u32 s11, v25  }
0x19c: {  	v27 =	vld.idx.msk [tilespmem:v27+s9+$0x0], $0xffff;
	[tilespmem:s28+$0xFFFFFFF0] =	vst v24;
	v24 =	vor.u32 s15, v25  }
0x19d: {  	v22 =	vld.idx.msk [tilespmem:v22+s9+$0x0], $0xffff;
	[tilespmem:s10+$0xE0] =	vst v28  }
0x19e: {  	[tilespmem:s10+$0xFFFFFFE0] =	vst v29;
	v20 =	vld.idx.msk [tilespmem:v20+s9+$0x0], $0xffff  }
0x19f: {  	v21 =	vld.idx.msk [tilespmem:v21+s9+$0x0], $0xffff;
	[tilespmem:s10+$0x60] =	vst v19  }
0x1a0: {  	[tilespmem:s10+$0xFFFFFF60] =	vst v23;
	v19 =	vld.idx.msk [tilespmem:v26+s9+$0x0], $0xffff  }
0x1a1: {  	[tilespmem:s28+$0x70] =	vst v27;
	v23 =	vld.idx.msk [tilespmem:v24+s9+$0x0], $0xffff  }
0x1a2: {  	s11 =	sadd.s32 s5, s18;
	[tilespmem:s28+$0xFFFFFF70] =	vst v22  }
0x1a3: {  	s15 =	sshll.u32 s11, $0x7;
	[tilespmem:s10+$0xF0] =	vst v20  }
0x1a4: {  	s8 =	sshll.u32 s11, $0xA;
	s11 =	sand.u32 $0x3F00, s15;
	[tilespmem:s10+$0xFFFFFFF0] =	vst v21  }
0x1a5: {  	s8 =	sand.u32 $0xFFE0000, s8;
	s11 =	sadd.s32 s2, s11;
	[tilespmem:s10+$0x70] =	vst v19  }
0x1a6: {  	s8 =	sadd.s32 s8, s11;
	[tilespmem:s10+$0xFFFFFF70] =	vst v23  }
0x1a7: {  	[hbm4b:s8+s1] =	stream.strided.scatter [tilespmem:s12], [sflag:$0x2], $0x2000, s0, s1, $0x38;
	[tilespmem:$0x16900] =	vst v63  }
0x1a8: {  	_ =	swait.ge [sflag:s25], $0x4000  }
0x1a9: {  	s16 =	smin.u32 s18, $0x4D;
	[sflag:s25] =	ssyncset.done $0x0  }
0x1aa: {  	s8 =	sshll.u32 s16, $0x7;
	[sflag:s25] =	ssyncadd.s32 $0xFFFFC000  }
0x1ab: {  	v19 =	vld [tilespmem:s8+$0x100];
	_ =	sdelay $0x4  }
0x1ac: {  	vm1 =	vgt.s32 v19, $0x7A1FF;
	v20 =	vadd.s32 $0xFFF85E00, v19  }
0x1ad: {  	v19 =	vsel vm1, v20, v19  }
0x1ae: {  	[tilespmem:$0x2800] =	vst v19  }
0x1af: {  	v20 =	vld [tilespmem:s8+$0x110];
	_ =	sdelay $0x4  }
0x1b0: {  	vm1 =	vgt.s32 v20, $0x7A1FF;
	v21 =	vadd.s32 $0xFFF85E00, v20  }
0x1b1: {  	v20 =	vsel vm1, v21, v20  }
0x1b2: {  	[tilespmem:$0x2810] =	vst v20  }
0x1b3: {  	v20 =	vld [tilespmem:s8+$0x120];
	_ =	sdelay $0x4  }
0x1b4: {  	vm1 =	vgt.s32 v20, $0x7A1FF;
	v21 =	vadd.s32 $0xFFF85E00, v20  }
0x1b5: {  	v20 =	vsel vm1, v21, v20  }
0x1b6: {  	[tilespmem:$0x2820] =	vst v20  }
0x1b7: {  	v20 =	vld [tilespmem:s8+$0x130];
	_ =	sdelay $0x4  }
0x1b8: {  	vm1 =	vgt.s32 v20, $0x7A1FF;
	v21 =	vadd.s32 $0xFFF85E00, v20  }
0x1b9: {  	v20 =	vsel vm1, v21, v20  }
0x1ba: {  	[tilespmem:$0x2830] =	vst v20  }
0x1bb: {  	v20 =	vld [tilespmem:s8+$0x140];
	_ =	sdelay $0x4  }
0x1bc: {  	vm1 =	vgt.s32 v20, $0x7A1FF;
	v21 =	vadd.s32 $0xFFF85E00, v20  }
0x1bd: {  	v20 =	vsel vm1, v21, v20  }
0x1be: {  	[tilespmem:$0x2840] =	vst v20  }
0x1bf: {  	v20 =	vld [tilespmem:s8+$0x150];
	_ =	sdelay $0x4  }
0x1c0: {  	vm1 =	vgt.s32 v20, $0x7A1FF;
	v21 =	vadd.s32 $0xFFF85E00, v20  }
0x1c1: {  	v20 =	vsel vm1, v21, v20  }
0x1c2: {  	[tilespmem:$0x2850] =	vst v20  }
0x1c3: {  	v20 =	vld [tilespmem:s8+$0x160];
	_ =	sdelay $0x4  }
0x1c4: {  	vm1 =	vgt.s32 v20, $0x7A1FF;
	v21 =	vadd.s32 $0xFFF85E00, v20  }
0x1c5: {  	v20 =	vsel vm1, v21, v20  }
0x1c6: {  	[tilespmem:$0x2860] =	vst v20  }
0x1c7: {  	v20 =	vld [tilespmem:s8+$0x170]  }
0x1c8: {  	v21 =	vperm.xlane v19, v0;
	_ =	sdelay $0x1  }
0x1c9: {  	v19 =	vperm.xlane v19, v2;
	v21 =	vadd.s32 v1, v21;
	_ =	sdelay $0x1  }
0x1ca: {  	v19 =	vadd.s32 v1, v19;
	vm1 =	vgt.s32 v20, $0x7A1FF;
	v22 =	vadd.s32 $0xFFF85E00, v20  }
0x1cb: {  	v20 =	vsel vm1, v22, v20  }
0x1cc: {  	[tilespmem:$0x2870] =	vst v20  }
0x1cd: {  	[tilespmem:s9], [sflag:$0x1] =	stream.indirect_vreg.gather [hbm4b:s4+s3], $0x80, v21, vm0, $0xb8;
	[tilespmem:$0x16900] =	vst v63  }
0x1ce: {  	s17 =	simm.s32 $0x3100  }
0x1cf: {  	[tilespmem:s17], [sflag:$0x1] =	stream.indirect_vreg.gather [hbm4b:s4+s3], $0x80, v19, vm0, $0xb8;
	[tilespmem:$0x16900] =	vst v63  }
0x1d0: {  	v19 =	vld [tilespmem:$0x2810];
	_ =	sdelay $0x4  }
0x1d1: {  	v20 =	vperm.xlane v19, v0;
	_ =	sdelay $0x1  }
0x1d2: {  	v19 =	vperm.xlane v19, v2;
	v20 =	vadd.s32 v1, v20;
	_ =	sdelay $0x1  }
0x1d3: {  	v19 =	vadd.s32 v1, v19;
	_ =	sdelay $0x1  }
0x1d4: {  	s18 =	simm.s32 $0x3900  }
0x1d5: {  	[tilespmem:s18], [sflag:$0x1] =	stream.indirect_vreg.gather [hbm4b:s4+s3], $0x80, v20, vm0, $0xb8;
	[tilespmem:$0x16900] =	vst v63  }
0x1d6: {  	s19 =	simm.s32 $0x4100  }
0x1d7: {  	[tilespmem:s19], [sflag:$0x1] =	stream.indirect_vreg.gather [hbm4b:s4+s3], $0x80, v19, vm0, $0xb8;
	[tilespmem:$0x16900] =	vst v63  }
0x1d8: {  	v19 =	vld [tilespmem:$0x2820];
	_ =	sdelay $0x4  }
0x1d9: {  	v20 =	vperm.xlane v19, v0;
	_ =	sdelay $0x1  }
0x1da: {  	v19 =	vperm.xlane v19, v2;
	v20 =	vadd.s32 v1, v20;
	_ =	sdelay $0x1  }
0x1db: {  	v19 =	vadd.s32 v1, v19;
	_ =	sdelay $0x1  }
0x1dc: {  	s20 =	simm.s32 $0x4900  }
0x1dd: {  	[tilespmem:s20], [sflag:$0x1] =	stream.indirect_vreg.gather [hbm4b:s4+s3], $0x80, v20, vm0, $0xb8;
	[tilespmem:$0x16900] =	vst v63  }
0x1de: {  	s30 =	simm.s32 $0x5100  }
0x1df: {  	[tilespmem:s30], [sflag:$0x1] =	stream.indirect_vreg.gather [hbm4b:s4+s3], $0x80, v19, vm0, $0xb8;
	[tilespmem:$0x16900] =	vst v63  }
0x1e0: {  	v19 =	vld [tilespmem:$0x2830];
	_ =	sdelay $0x4  }
0x1e1: {  	v20 =	vperm.xlane v19, v0;
	_ =	sdelay $0x1  }
0x1e2: {  	v19 =	vperm.xlane v19, v2;
	v20 =	vadd.s32 v1, v20;
	_ =	sdelay $0x1  }
0x1e3: {  	v19 =	vadd.s32 v1, v19;
	_ =	sdelay $0x1  }
0x1e4: {  	s31 =	simm.s32 $0x5900  }
0x1e5: {  	[tilespmem:s31], [sflag:$0x1] =	stream.indirect_vreg.gather [hbm4b:s4+s3], $0x80, v20, vm0, $0xb8;
	[tilespmem:$0x16900] =	vst v63  }
0x1e6: {  	s10 =	simm.s32 $0x6100  }
0x1e7: {  	[tilespmem:s10], [sflag:$0x1] =	stream.indirect_vreg.gather [hbm4b:s4+s3], $0x80, v19, vm0, $0xb8;
	[tilespmem:$0x16900] =	vst v63  }
0x1e8: {  	v19 =	vld [tilespmem:$0x2840];
	_ =	sdelay $0x4  }
0x1e9: {  	v20 =	vperm.xlane v19, v0;
	_ =	sdelay $0x1  }
0x1ea: {  	v19 =	vperm.xlane v19, v2;
	v20 =	vadd.s32 v1, v20;
	_ =	sdelay $0x1  }
0x1eb: {  	v19 =	vadd.s32 v1, v19;
	_ =	sdelay $0x1  }
0x1ec: {  	s11 =	simm.s32 $0x6900  }
0x1ed: {  	[tilespmem:s11], [sflag:$0x1] =	stream.indirect_vreg.gather [hbm4b:s4+s3], $0x80, v20, vm0, $0xb8;
	[tilespmem:$0x16900] =	vst v63  }
0x1ee: {  	s15 =	simm.s32 $0x7100  }
0x1ef: {  	[tilespmem:s15], [sflag:$0x1] =	stream.indirect_vreg.gather [hbm4b:s4+s3], $0x80, v19, vm0, $0xb8;
	[tilespmem:$0x16900] =	vst v63  }
0x1f0: {  	v19 =	vld [tilespmem:$0x2850];
	_ =	sdelay $0x4  }
0x1f1: {  	v20 =	vperm.xlane v19, v0;
	_ =	sdelay $0x1  }
0x1f2: {  	v19 =	vperm.xlane v19, v2;
	v20 =	vadd.s32 v1, v20;
	_ =	sdelay $0x1  }
0x1f3: {  	v19 =	vadd.s32 v1, v19;
	_ =	sdelay $0x1  }
0x1f4: {  	s16 =	simm.s32 $0x7900  }
0x1f5: {  	[tilespmem:s16], [sflag:$0x1] =	stream.indirect_vreg.gather [hbm4b:s4+s3], $0x80, v20, vm0, $0xb8;
	[tilespmem:$0x16900] =	vst v63  }
0x1f6: {  	s17 =	simm.s32 $0x8100  }
0x1f7: {  	[tilespmem:s17], [sflag:$0x1] =	stream.indirect_vreg.gather [hbm4b:s4+s3], $0x80, v19, vm0, $0xb8;
	[tilespmem:$0x16900] =	vst v63  }
0x1f8: {  	v19 =	vld [tilespmem:$0x2860];
	_ =	sdelay $0x4  }
0x1f9: {  	v20 =	vperm.xlane v19, v0;
	_ =	sdelay $0x1  }
0x1fa: {  	v19 =	vperm.xlane v19, v2;
	v20 =	vadd.s32 v1, v20;
	_ =	sdelay $0x1  }
0x1fb: {  	v19 =	vadd.s32 v1, v19;
	_ =	sdelay $0x2  }
0x1fc: {  	[tilespmem:s21], [sflag:$0x1] =	stream.indirect_vreg.gather [hbm4b:s4+s3], $0x80, v20, vm0, $0xb8;
	[tilespmem:$0x16900] =	vst v63  }
0x1fd: {  	_ = 	snop  }
0x1fe: {  	[tilespmem:s22], [sflag:$0x1] =	stream.indirect_vreg.gather [hbm4b:s4+s3], $0x80, v19, vm0, $0xb8;
	[tilespmem:$0x16900] =	vst v63  }
0x1ff: {  	v19 =	vld [tilespmem:$0x2870];
	_ =	sdelay $0x4  }
0x200: {  	v20 =	vperm.xlane v19, v0;
	_ =	sdelay $0x1  }
0x201: {  	v19 =	vperm.xlane v19, v2;
	v20 =	vadd.s32 v1, v20;
	_ =	sdelay $0x1  }
0x202: {  	v19 =	vadd.s32 v1, v19;
	_ =	sdelay $0x2  }
0x203: {  	[tilespmem:s23], [sflag:$0x1] =	stream.indirect_vreg.gather [hbm4b:s4+s3], $0x80, v20, vm0, $0xb8;
	[tilespmem:$0x16900] =	vst v63  }
0x204: {  	s8 =	simm.s32 @!p0 $0x2  }
0x205: {  	[tilespmem:s24], [sflag:$0x1] =	stream.indirect_vreg.gather [hbm4b:s4+s3], $0x80, v19, vm0, $0xb8;
	[tilespmem:$0x16900] =	vst v63  }
0x206: {  	_ =	swait.ge @!p0 [sflag:s8], $0x2000  }
0x207: {  	[sflag:s8] =	ssyncset.done @!p0 $0x0  }
0x208: {  	[sflag:s8] =	ssyncadd.s32 @!p0 $0xFFFFE000  }
0x209: {  	v19 =	vld [tilespmem:s7+$0x0];
	_ =	sdelay $0x4  }
0x20a: {  	vm1 =	vgt.s32 v19, $0x7A1FF  }
0x20b: {  	s18 =	simm.s32 $0x3;
	v19 =	vld [tilespmem:s7+$0x10];
	v26 =	vsel vm1, v4, v3  }
0x20c: {  	s19 =	simm.s32 $0x1;
	v21 =	vor.u32 s18, v26  }
0x20d: {  	s30 =	simm.s32 $0x2;
	v20 =	vld [tilespmem:s7+$0x20];
	v22 =	vor.u32 s19, v26  }
0x20e: {  	v23 =	vld [tilespmem:s7+$0x30];
	v27 =	vor.u32 s30, v26  }
0x20f: {  	s31 =	simm.s32 $0x0;
	v25 =	vld [tilespmem:s7+$0x40]  }
0x210: {  	v28 =	vld [tilespmem:s7+$0x50];
	vm1 =	vgt.s32 v19, $0x7A1FF;
	v19 =	vor.u32 s31, v26  }
0x211: {  	v24 =	vsel vm1, v6, v5;
	v21 =	vld.idx.msk [tilespmem:v21+s26+$0x0], $0xffff  }
0x212: {  	v30 =	vld.idx.msk [tilespmem:v22+s26+$0x0], $0xffff;
	v31 =	vor.u32 s18, v24  }
0x213: {  	v27 =	vld.idx.msk [tilespmem:v27+s26+$0x0], $0xffff;
	v51 =	vor.u32 s19, v24  }
0x214: {  	v29 =	vld [tilespmem:s7+$0x60];
	v52 =	vor.u32 s30, v24  }
0x215: {  	s28 =	simm.s32 $0x14A00;
	v19 =	vld.idx.msk [tilespmem:v19+s26+$0x0], $0xffff  }
0x216: {  	v33 =	vld [tilespmem:s7+$0x70];
	vm1 =	vgt.s32 v20, $0x7A1FF;
	v20 =	vor.u32 s31, v24;
	[tilespmem:s28+$0x80] =	vst v21  }
0x217: {  	v22 =	vsel vm1, v8, v7;
	[tilespmem:s28+$0xFFFFFF80] =	vst v30;
	v21 =	vld.idx.msk [tilespmem:v31+s26+$0x0], $0xffff  }
0x218: {  	[tilespmem:s28+$0x0] =	vst v27;
	v27 =	vor.u32 s18, v22;
	v30 =	vld.idx.msk [tilespmem:v51+s26+$0x0], $0xffff  }
0x219: {  	v53 =	vor.u32 s19, v22;
	v31 =	vld.idx.msk [tilespmem:v52+s26+$0x0], $0xffff  }
0x21a: {  	s7 =	simm.s32 $0x4;
	[tilespmem:s28+$0xFFFFFF00] =	vst v19;
	v19 =	vor.u32 s30, v22  }
0x21b: {  	v57 =	vor.u32 s7, v26;
	v54 =	vld.idx.msk [tilespmem:v20+s26+$0x0], $0xffff  }
0x21c: {  	vm1 =	vgt.s32 v23, $0x7A1FF;
	v23 =	vor.u32 s31, v22;
	[tilespmem:s28+$0x90] =	vst v21  }
0x21d: {  	v20 =	vsel vm1, v10, v9;
	[tilespmem:s28+$0xFFFFFF90] =	vst v30;
	v21 =	vld.idx.msk [tilespmem:v27+s26+$0x0], $0xffff  }
0x21e: {  	[tilespmem:s28+$0x10] =	vst v31;
	v30 =	vor.u32 s18, v20;
	v27 =	vld.idx.msk [tilespmem:v53+s26+$0x0], $0xffff  }
0x21f: {  	v55 =	vor.u32 s19, v20;
	v31 =	vld.idx.msk [tilespmem:v19+s26+$0x0], $0xffff  }
0x220: {  	v35 =	vld.idx.msk [tilespmem:v57+s26+$0x0], $0xffff;
	v56 =	vor.u32 s30, v20;
	[tilespmem:s28+$0xFFFFFF10] =	vst v54  }
0x221: {  	v49 =	vor.u32 s7, v24;
	v23 =	vld.idx.msk [tilespmem:v23+s26+$0x0], $0xffff  }
0x222: {  	s15 =	simm.s32 $0x5;
	vm1 =	vgt.s32 v25, $0x7A1FF;
	v25 =	vor.u32 s31, v20;
	[tilespmem:s28+$0xA0] =	vst v21  }
0x223: {  	v19 =	vsel vm1, v12, v11;
	v21 =	vor.u32 s15, v26;
	[tilespmem:s28+$0xFFFFFFA0] =	vst v27;
	v27 =	vld.idx.msk [tilespmem:v30+s26+$0x0], $0xffff  }
0x224: {  	s17 =	simm.s32 $0x14C00;
	v30 =	vld.idx.msk [tilespmem:v55+s26+$0x0], $0xffff;
	[tilespmem:s28+$0x20] =	vst v31;
	v31 =	vor.u32 s18, v19  }
0x225: {  	[tilespmem:s17+$0xFFFFFF00] =	vst v35;
	v59 =	vor.u32 s19, v19;
	v58 =	vld.idx.msk [tilespmem:v56+s26+$0x0], $0xffff  }
0x226: {  	s29 =	simm.s32 $0x7;
	v35 =	vld.idx.msk [tilespmem:v49+s26+$0x0], $0xffff;
	[tilespmem:s28+$0xFFFFFF20] =	vst v23;
	v23 =	vor.u32 s30, v19  }
0x227: {  	v60 =	vor.u32 s29, v26;
	v25 =	vld.idx.msk [tilespmem:v25+s26+$0x0], $0xffff  }
0x228: {  	vm1 =	vgt.s32 v28, $0x7A1FF;
	v56 =	vor.u32 s7, v22;
	v28 =	vld.idx.msk [tilespmem:v21+s26+$0x0], $0xffff;
	[tilespmem:s28+$0xB0] =	vst v27  }
0x229: {  	s8 =	simm.s32 $0x8;
	v27 =	vor.u32 s31, v19;
	[tilespmem:s28+$0xFFFFFFB0] =	vst v30;
	v30 =	vld.idx.msk [tilespmem:v31+s26+$0x0], $0xffff  }
0x22a: {  	v45 =	vor.u32 s8, v26;
	v34 =	vld.idx.msk [tilespmem:v59+s26+$0x0], $0xffff;
	[tilespmem:s28+$0x30] =	vst v58  }
0x22b: {  	s16 =	simm.s32 $0x6;
	[tilespmem:s17+$0xFFFFFF10] =	vst v35;
	v21 =	vsel vm1, v14, v13;
	vm1 =	vgt.s32 v29, $0x7A1FF;
	v29 =	vor.u32 s15, v24;
	v62 =	vld.idx.msk [tilespmem:v23+s26+$0x0], $0xffff  }
0x22c: {  	v31 =	vor.u32 s16, v26;
	[tilespmem:s28+$0xFFFFFF30] =	vst v25;
	v25 =	vld.idx.msk [tilespmem:v60+s26+$0x0], $0xffff  }
0x22d: {  	v61 =	vor.u32 s18, v21;
	v60 =	vld.idx.msk [tilespmem:v56+s26+$0x0], $0xffff  }
0x22e: {  	v41 =	vor.u32 s29, v24;
	v46 =	vld.idx.msk [tilespmem:v27+s26+$0x0], $0xffff  }
0x22f: {  	v44 =	vor.u32 s30, v21;
	[tilespmem:s17+$0xFFFFFF80] =	vst v28;
	v27 =	vld.idx.msk [tilespmem:v45+s26+$0x0], $0xffff  }
0x230: {  	v63 =	vor.u32 s19, v21;
	v29 =	vld.idx.msk [tilespmem:v29+s26+$0x0], $0xffff;
	[tilespmem:s28+$0xC0] =	vst v30  }
0x231: {  	v50 =	vor.u32 s31, v21;
	v31 =	vld.idx.msk [tilespmem:v31+s26+$0x0], $0xffff;
	[tilespmem:s28+$0xFFFFFFC0] =	vst v34  }
0x232: {  	v47 =	vor.u32 s16, v24;
	v23 =	vsel vm1, v16, v15;
	v30 =	vld.idx.msk [tilespmem:v61+s26+$0x0], $0xffff;
	[tilespmem:s17+$0x80] =	vst v25  }
0x233: {  	v48 =	vor.u32 s18, v23;
	[tilespmem:s28+$0x40] =	vst v62;
	v28 =	vld.idx.msk [tilespmem:v41+s26+$0x0], $0xffff  }
0x234: {  	v51 =	vor.u32 s29, v22;
	v36 =	vld.idx.msk [tilespmem:v44+s26+$0x0], $0xffff;
	[tilespmem:s28+$0xFFFFFF40] =	vst v46  }
0x235: {  	v34 =	vld.idx.msk [tilespmem:v63+s26+$0x0], $0xffff;
	[tilespmem:s17+$0xFFFFFF90] =	vst v29;
	v29 =	vor.u32 s30, v23  }
0x236: {  	[tilespmem:s17+$0x0] =	vst v31;
	v31 =	vor.u32 s19, v23;
	v54 =	vld.idx.msk [tilespmem:v50+s26+$0x0], $0xffff  }
0x237: {  	vm1 =	vgt.s32 v33, $0x7A1FF;
	v32 =	vld.idx.msk [tilespmem:v47+s26+$0x0], $0xffff;
	[tilespmem:s28+$0xD0] =	vst v30;
	v30 =	vor.u32 s15, v22  }
0x238: {  	v53 =	vor.u32 s16, v22;
	v25 =	vsel vm1, v18, v17;
	v52 =	vld.idx.msk [tilespmem:v48+s26+$0x0], $0xffff;
	[tilespmem:s17+$0x90] =	vst v28  }
0x239: {  	v55 =	vor.u32 s18, v25;
	s18 =	simm.s32 $0x9;
	[tilespmem:s28+$0x50] =	vst v36;
	v28 =	vld.idx.msk [tilespmem:v51+s26+$0x0], $0xffff  }
0x23a: {  	v62 =	vor.u32 s18, v26;
	[tilespmem:s28+$0xFFFFFFD0] =	vst v34;
	v42 =	vld.idx.msk [tilespmem:v29+s26+$0x0], $0xffff  }
0x23b: {  	v57 =	vld.idx.msk [tilespmem:v31+s26+$0x0], $0xffff;
	v31 =	vor.u32 s31, v23  }
0x23c: {  	v58 =	vor.u32 s29, v20;
	v30 =	vld.idx.msk [tilespmem:v30+s26+$0x0], $0xffff;
	[tilespmem:s17+$0x10] =	vst v32  }
0x23d: {  	v59 =	vor.u32 s15, v20;
	v32 =	vld.idx.msk [tilespmem:v53+s26+$0x0], $0xffff;
	[tilespmem:s28+$0xE0] =	vst v52  }
0x23e: {  	v61 =	vor.u32 s16, v20;
	[tilespmem:s28+$0xFFFFFF50] =	vst v54;
	v34 =	vld.idx.msk [tilespmem:v55+s26+$0x0], $0xffff  }
0x23f: {  	v43 =	vor.u32 s19, v25;
	[tilespmem:s17+$0xA0] =	vst v28;
	v28 =	vld.idx.msk [tilespmem:v62+s26+$0x0], $0xffff  }
0x240: {  	v63 =	vor.u32 s7, v20;
	[tilespmem:s17+$0xFFFFFF20] =	vst v60;
	v29 =	vld.idx.msk [tilespmem:v31+s26+$0x0], $0xffff  }
0x241: {  	v39 =	vor.u32 s30, v25;
	v33 =	vld.idx.msk [tilespmem:v58+s26+$0x0], $0xffff;
	[tilespmem:s17+$0xFFFFFFA0] =	vst v30  }
0x242: {  	v36 =	vor.u32 s29, v19;
	v31 =	vld.idx.msk [tilespmem:v59+s26+$0x0], $0xffff;
	[tilespmem:s17+$0x20] =	vst v32  }
0x243: {  	v37 =	vor.u32 s15, v19;
	[tilespmem:s28+$0xFFFFFFE0] =	vst v57;
	v30 =	vld.idx.msk [tilespmem:v61+s26+$0x0], $0xffff  }
0x244: {  	v38 =	vor.u32 s16, v19;
	[tilespmem:s28+$0x60] =	vst v42;
	v35 =	vld.idx.msk [tilespmem:v43+s26+$0x0], $0xffff  }
0x245: {  	s10 =	simm.s32 $0xC;
	s19 =	simm.s32 $0xB;
	v32 =	vor.u32 s31, v25;
	[tilespmem:s28+$0xF0] =	vst v34;
	v34 =	vld.idx.msk [tilespmem:v63+s26+$0x0], $0xffff  }
.LBB2_5:
0x246: {  	p0 =	slt.u32 s10, $0x3C;
	v40 =	vor.u32 s19, v26;
	[tilespmem:s17+$0xB0] =	vst v33;
	v33 =	vld.idx.msk [tilespmem:v39+s26+$0x0], $0xffff;
	s11 =	smov.u32 s8;
	s8 =	smov.u32 s10  }
0x247: {  	v39 =	vor.u32 s7, v19;
	s20 =	sadd.s32 $0x2, s11;
	[tilespmem:s17+$0xFFFFFFB0] =	vst v31;
	v31 =	vld.idx.msk [tilespmem:v36+s26+$0x0], $0xffff  }
0x248: {  	v36 =	vor.u32 s20, v26;
	v37 =	vld.idx.msk [tilespmem:v37+s26+$0x0], $0xffff;
	[tilespmem:s17+$0x30] =	vst v30  }
0x249: {  	v30 =	vld.idx.msk [tilespmem:v38+s26+$0x0], $0xffff;
	v38 =	vor.u32 s29, v21;
	[tilespmem:s28+$0xFFFFFF60] =	vst v29  }
0x24a: {  	v29 =	vor.u32 s15, v21;
	[tilespmem:s17+$0xFFFFFF30] =	vst v34;
	v32 =	vld.idx.msk [tilespmem:v32+s26+$0x0], $0xffff  }
0x24b: {  	v34 =	vld.idx.msk [tilespmem:v40+s26+$0x0], $0xffff;
	v40 =	vor.u32 s16, v21;
	[tilespmem:s28+$0xFFFFFFF0] =	vst v35  }
0x24c: {  	v35 =	vor.u32 s10, v26;
	v39 =	vld.idx.msk [tilespmem:v39+s26+$0x0], $0xffff;
	[tilespmem:s28+$0x70] =	vst v33  }
0x24d: {  	v33 =	vld.idx.msk [tilespmem:v36+s26+$0x0], $0xffff;
	v36 =	vor.u32 s19, v24;
	[tilespmem:s17+$0xC0] =	vst v31  }
0x24e: {  	v31 =	vor.u32 s18, v24;
	[tilespmem:s17+$0xFFFFFFC0] =	vst v37;
	v37 =	vld.idx.msk [tilespmem:v38+s26+$0x0], $0xffff  }
0x24f: {  	v38 =	vor.u32 s20, v24;
	v29 =	vld.idx.msk [tilespmem:v29+s26+$0x0], $0xffff;
	[tilespmem:s17+$0x40] =	vst v30  }
0x250: {  	v30 =	vld.idx.msk [tilespmem:v40+s26+$0x0], $0xffff;
	v40 =	vor.u32 s29, v23;
	[tilespmem:s28+$0xFFFFFF70] =	vst v32;
	s28 =	smov.u32 s17;
	s17 =	sadd.s32 $0x200, s17  }
0x251: {  	v32 =	vld.idx.msk [tilespmem:v35+s26+$0x0], $0xffff;
	v35 =	vor.u32 s11, v24;
	[tilespmem:s17+$0x80] =	vst v34  }
0x252: {  	v34 =	vor.u32 s7, v21;
	[tilespmem:s17+$0xFFFFFF80] =	vst v28;
	v28 =	vld.idx.msk [tilespmem:v36+s26+$0x0], $0xffff  }
0x253: {  	v31 =	vld.idx.msk [tilespmem:v31+s26+$0x0], $0xffff;
	[tilespmem:s17+$0x0] =	vst v33;
	v33 =	vor.u32 s15, v23  }
0x254: {  	v36 =	vld.idx.msk [tilespmem:v38+s26+$0x0], $0xffff;
	v38 =	vor.u32 s19, v22;
	[tilespmem:s28+$0xD0] =	vst v37  }
0x255: {  	v37 =	vor.u32 s18, v22;
	[tilespmem:s17+$0xFFFFFF00] =	vst v27;
	v40 =	vld.idx.msk [tilespmem:v40+s26+$0x0], $0xffff  }
0x256: {  	v41 =	vor.u32 s20, v22;
	v35 =	vld.idx.msk [tilespmem:v35+s26+$0x0], $0xffff;
	[tilespmem:s28+$0xFFFFFF40] =	vst v39  }
0x257: {  	v27 =	vmov v32;
	v34 =	vld.idx.msk [tilespmem:v34+s26+$0x0], $0xffff;
	[tilespmem:s28+$0xFFFFFFD0] =	vst v29;
	v29 =	vor.u32 s29, v25;
	s29 =	smov.u32 s19  }
0x258: {  	v32 =	vor.u32 s11, v22;
	[tilespmem:s17+$0x90] =	vst v28;
	v42 =	vld.idx.msk [tilespmem:v33+s26+$0x0], $0xffff  }
0x259: {  	[tilespmem:s17+$0xFFFFFF90] =	vst v31;
	v28 =	vld.idx.msk [tilespmem:v38+s26+$0x0], $0xffff;
	v31 =	vor.u32 s16, v23  }
0x25a: {  	v33 =	vld.idx.msk [tilespmem:v37+s26+$0x0], $0xffff;
	[tilespmem:s17+$0x10] =	vst v36;
	v36 =	vor.u32 s7, v23  }
0x25b: {  	v38 =	vor.u32 s29, v20;
	v37 =	vld.idx.msk [tilespmem:v41+s26+$0x0], $0xffff;
	[tilespmem:s28+$0xE0] =	vst v40  }
0x25c: {  	[tilespmem:s17+$0xFFFFFF10] =	vst v35;
	v35 =	vor.u32 s18, v20;
	v40 =	vld.idx.msk [tilespmem:v29+s26+$0x0], $0xffff  }
0x25d: {  	s19 =	sadd.s32 $0x1, s10;
	v41 =	vor.u32 s20, v20;
	v32 =	vld.idx.msk [tilespmem:v32+s26+$0x0], $0xffff;
	[tilespmem:s28+$0x50] =	vst v30  }
0x25e: {  	v43 =	vor.u32 s19, v26;
	[tilespmem:s28+$0xFFFFFF50] =	vst v34;
	v44 =	vld.idx.msk [tilespmem:v31+s26+$0x0], $0xffff  }
0x25f: {  	v34 =	vor.u32 s11, v20;
	[tilespmem:s17+$0xA0] =	vst v28;
	v29 =	vld.idx.msk [tilespmem:v36+s26+$0x0], $0xffff  }
0x260: {  	v45 =	vor.u32 s15, v25;
	s15 =	smov.u32 s18;
	s18 =	smov.u32 s19;
	[tilespmem:s17+$0xFFFFFFA0] =	vst v33;
	v33 =	vld.idx.msk [tilespmem:v38+s26+$0x0], $0xffff  }
.Ltmp1:
0x261: {  	v39 =	vor.u32 s16, v25;
	s16 =	smov.u32 s20;
	v31 =	vld.idx.msk [tilespmem:v35+s26+$0x0], $0xffff;
	[tilespmem:s17+$0x20] =	vst v37;
	(pc) =	sbr.rel @p0 .LBB2_5-.Ltmp1, $4  }
0x262: {  	v36 =	vor.u32 s29, v19;
	v30 =	vld.idx.msk [tilespmem:v41+s26+$0x0], $0xffff;
	[tilespmem:s28+$0xF0] =	vst v40  }
0x263: {  	v37 =	vor.u32 s15, v19;
	v28 =	vld.idx.msk [tilespmem:v43+s26+$0x0], $0xffff;
	[tilespmem:s17+$0xFFFFFF20] =	vst v32  }
0x264: {  	v38 =	vor.u32 s16, v19;
	v34 =	vld.idx.msk [tilespmem:v34+s26+$0x0], $0xffff;
	[tilespmem:s28+$0xFFFFFFE0] =	vst v42  }
0x265: {  	s10 =	sadd.s32 $0x4, s10;
	s19 =	sadd.s32 $0x3, s8;
	v32 =	vor.u32 s7, v25;
	s7 =	smov.u32 s11;
	v35 =	vld.idx.msk [tilespmem:v45+s26+$0x0], $0xffff;
	[tilespmem:s28+$0x60] =	vst v44  }
0x266: {  	_ = 	snop  }
0x267: {  	[tilespmem:s17+$0xB0] =	vst v33  }
0x268: {  	[tilespmem:s17+$0xFFFFFFB0] =	vst v31  }
0x269: {  	v40 =	vor.u32 s19, v26;
	s11 =	sadd.s32 $0x2, s8;
	[tilespmem:s28+$0xFFFFFF60] =	vst v29  }
0x26a: {  	v61 =	vld.idx.msk [tilespmem:v39+s26+$0x0], $0xffff;
	s10 =	sadd.s32 $0x200, s17;
	v63 =	vor.u32 s11, v26;
	[tilespmem:s17+$0x30] =	vst v30  }
0x26b: {  	v62 =	vld.idx.msk [tilespmem:v36+s26+$0x0], $0xffff;
	[tilespmem:s10+$0xFFFFFF00] =	vst v27  }
0x26c: {  	v46 =	vor.u32 s18, v24;
	v41 =	vld.idx.msk [tilespmem:v37+s26+$0x0], $0xffff;
	[tilespmem:s10+$0xFFFFFF80] =	vst v28  }
0x26d: {  	v48 =	vor.u32 s8, v24;
	v32 =	vld.idx.msk [tilespmem:v32+s26+$0x0], $0xffff;
	[tilespmem:s17+$0xFFFFFF30] =	vst v34  }
0x26e: {  	v49 =	vor.u32 s7, v19;
	[tilespmem:s28+$0xFFFFFFF0] =	vst v35;
	v44 =	vld.idx.msk [tilespmem:v40+s26+$0x0], $0xffff  }
0x26f: {  	v45 =	vor.u32 s19, v24;
	[tilespmem:s28+$0x70] =	vst v61;
	v26 =	vld.idx.msk [tilespmem:v63+s26+$0x0], $0xffff  }
0x270: {  	v47 =	vor.u32 s11, v24;
	v42 =	vld.idx.msk [tilespmem:v38+s26+$0x0], $0xffff;
	[tilespmem:s17+$0xC0] =	vst v62  }
0x271: {  	v43 =	vor.u32 s29, v21;
	v31 =	vld.idx.msk [tilespmem:v46+s26+$0x0], $0xffff;
	[tilespmem:s17+$0xFFFFFFC0] =	vst v41  }
0x272: {  	v50 =	vor.u32 s15, v21;
	v24 =	vld.idx.msk [tilespmem:v48+s26+$0x0], $0xffff;
	[tilespmem:s28+$0xFFFFFF70] =	vst v32  }
0x273: {  	v53 =	vor.u32 s18, v22;
	v29 =	vld.idx.msk [tilespmem:v49+s26+$0x0], $0xffff;
	[tilespmem:s10+$0x80] =	vst v44  }
0x274: {  	v55 =	vor.u32 s8, v22;
	v51 =	vld.idx.msk [tilespmem:v45+s26+$0x0], $0xffff;
	[tilespmem:s10+$0x0] =	vst v26  }
0x275: {  	v52 =	vor.u32 s19, v22;
	[tilespmem:s17+$0x40] =	vst v42;
	v30 =	vld.idx.msk [tilespmem:v47+s26+$0x0], $0xffff  }
0x276: {  	v54 =	vor.u32 s11, v22;
	v34 =	vld.idx.msk [tilespmem:v43+s26+$0x0], $0xffff;
	[tilespmem:s10+$0xFFFFFF90] =	vst v31  }
0x277: {  	v58 =	vor.u32 s16, v21;
	v56 =	vld.idx.msk [tilespmem:v50+s26+$0x0], $0xffff;
	[tilespmem:s10+$0xFFFFFF10] =	vst v24  }
0x278: {  	v36 =	vor.u32 s7, v21;
	[tilespmem:s17+$0xFFFFFF40] =	vst v29;
	v27 =	vld.idx.msk [tilespmem:v53+s26+$0x0], $0xffff  }
0x279: {  	v59 =	vor.u32 s19, v20;
	v61 =	vor.u32 s18, v20;
	v22 =	vld.idx.msk [tilespmem:v55+s26+$0x0], $0xffff;
	[tilespmem:s10+$0x90] =	vst v51  }
0x27a: {  	v62 =	vor.u32 s11, v20;
	v20 =	vor.u32 s8, v20;
	v26 =	vld.idx.msk [tilespmem:v52+s26+$0x0], $0xffff;
	[tilespmem:s10+$0x10] =	vst v30  }
0x27b: {  	[tilespmem:s17+$0xD0] =	vst v34;
	v60 =	vld.idx.msk [tilespmem:v54+s26+$0x0], $0xffff  }
0x27c: {  	v28 =	vld.idx.msk [tilespmem:v58+s26+$0x0], $0xffff;
	[tilespmem:s17+$0xFFFFFFD0] =	vst v56  }
0x27d: {  	v57 =	vor.u32 s29, v23;
	v42 =	vld.idx.msk [tilespmem:v36+s26+$0x0], $0xffff;
	[tilespmem:s10+$0xFFFFFFA0] =	vst v27  }
0x27e: {  	v43 =	vor.u32 s15, v23;
	[tilespmem:s10+$0xFFFFFF20] =	vst v22;
	v24 =	vld.idx.msk [tilespmem:v61+s26+$0x0], $0xffff  }
0x27f: {  	v39 =	vor.u32 s19, v19;
	v40 =	vor.u32 s18, v19;
	v20 =	vld.idx.msk [tilespmem:v20+s26+$0x0], $0xffff;
	[tilespmem:s10+$0xA0] =	vst v26  }
0x280: {  	v41 =	vor.u32 s11, v19;
	v19 =	vor.u32 s8, v19;
	v38 =	vld.idx.msk [tilespmem:v59+s26+$0x0], $0xffff;
	[tilespmem:s10+$0x20] =	vst v60  }
0x281: {  	[tilespmem:s17+$0x50] =	vst v28;
	v29 =	vld.idx.msk [tilespmem:v62+s26+$0x0], $0xffff  }
0x282: {  	v63 =	vld.idx.msk [tilespmem:v57+s26+$0x0], $0xffff;
	[tilespmem:s17+$0xFFFFFF50] =	vst v42  }
0x283: {  	v44 =	vor.u32 s16, v23;
	v28 =	vld.idx.msk [tilespmem:v43+s26+$0x0], $0xffff;
	[tilespmem:s10+$0xFFFFFFB0] =	vst v24  }
0x284: {  	v37 =	vor.u32 s29, v25;
	[tilespmem:s10+$0xFFFFFF30] =	vst v20;
	v22 =	vld.idx.msk [tilespmem:v40+s26+$0x0], $0xffff  }
0x285: {  	v20 =	vor.u32 s18, v21;
	v19 =	vld.idx.msk [tilespmem:v19+s26+$0x0], $0xffff;
	[tilespmem:s10+$0xB0] =	vst v38  }
0x286: {  	v49 =	vor.u32 s8, v21;
	v45 =	vld.idx.msk [tilespmem:v39+s26+$0x0], $0xffff;
	[tilespmem:s10+$0x30] =	vst v29  }
0x287: {  	v46 =	vor.u32 s19, v21;
	[tilespmem:s17+$0xE0] =	vst v63;
	v47 =	vld.idx.msk [tilespmem:v41+s26+$0x0], $0xffff  }
0x288: {  	v48 =	vor.u32 s11, v21;
	v27 =	vld.idx.msk [tilespmem:v44+s26+$0x0], $0xffff;
	[tilespmem:s17+$0xFFFFFFE0] =	vst v28  }
0x289: {  	v51 =	vor.u32 s15, v25;
	v26 =	vld.idx.msk [tilespmem:v37+s26+$0x0], $0xffff;
	[tilespmem:s10+$0xFFFFFFC0] =	vst v22  }
0x28a: {  	v50 =	vor.u32 s7, v23;
	[tilespmem:s10+$0xFFFFFF40] =	vst v19;
	v20 =	vld.idx.msk [tilespmem:v20+s26+$0x0], $0xffff  }
0x28b: {  	v54 =	vor.u32 s18, v23;
	v19 =	vld.idx.msk [tilespmem:v49+s26+$0x0], $0xffff;
	[tilespmem:s10+$0xC0] =	vst v45  }
0x28c: {  	v56 =	vor.u32 s8, v23;
	v52 =	vld.idx.msk [tilespmem:v46+s26+$0x0], $0xffff;
	[tilespmem:s10+$0x40] =	vst v47  }
0x28d: {  	v53 =	vor.u32 s19, v23;
	[tilespmem:s17+$0x60] =	vst v27;
	v30 =	vld.idx.msk [tilespmem:v48+s26+$0x0], $0xffff  }
0x28e: {  	v55 =	vor.u32 s11, v23;
	v24 =	vld.idx.msk [tilespmem:v51+s26+$0x0], $0xffff;
	[tilespmem:s17+$0xF0] =	vst v26  }
0x28f: {  	v57 =	vor.u32 s16, v25;
	v26 =	vld.idx.msk [tilespmem:v50+s26+$0x0], $0xffff;
	[tilespmem:s10+$0xFFFFFFD0] =	vst v20  }
0x290: {  	v58 =	vor.u32 s7, v25;
	[tilespmem:s10+$0xFFFFFF50] =	vst v19;
	v60 =	vld.idx.msk [tilespmem:v54+s26+$0x0], $0xffff  }
0x291: {  	v61 =	vor.u32 s18, v25;
	v23 =	vld.idx.msk [tilespmem:v56+s26+$0x0], $0xffff;
	[tilespmem:s10+$0xD0] =	vst v52  }
0x292: {  	v63 =	vor.u32 s8, v25;
	v59 =	vld.idx.msk [tilespmem:v53+s26+$0x0], $0xffff;
	[tilespmem:s10+$0x50] =	vst v30  }
0x293: {  	[tilespmem:s17+$0xFFFFFFF0] =	vst v24;
	v20 =	vor.u32 s19, v25;
	v19 =	vld.idx.msk [tilespmem:v55+s26+$0x0], $0xffff  }
0x294: {  	v27 =	vld.idx.msk [tilespmem:v57+s26+$0x0], $0xffff;
	v62 =	vor.u32 s11, v25;
	[tilespmem:s17+$0xFFFFFF60] =	vst v26  }
0x295: {  	v22 =	vld.idx.msk [tilespmem:v58+s26+$0x0], $0xffff;
	[tilespmem:s10+$0xFFFFFFE0] =	vst v60  }
0x296: {  	[tilespmem:s10+$0xFFFFFF60] =	vst v23;
	v21 =	vld.idx.msk [tilespmem:v61+s26+$0x0], $0xffff  }
0x297: {  	v23 =	vld.idx.msk [tilespmem:v63+s26+$0x0], $0xffff;
	[tilespmem:s10+$0xE0] =	vst v59  }
0x298: {  	v20 =	vld.idx.msk [tilespmem:v20+s26+$0x0], $0xffff;
	[tilespmem:s10+$0x60] =	vst v19  }
0x299: {  	s14 =	sadd.s32 $0x1, s14;
	[tilespmem:s17+$0x70] =	vst v27;
	v19 =	vld.idx.msk [tilespmem:v62+s26+$0x0], $0xffff  }
0x29a: {  	s6 =	sadd.s32 s5, s6;
	p0 =	sne.s32 s14, $0x28;
	[tilespmem:s17+$0xFFFFFF70] =	vst v22  }
.Ltmp2:
0x29b: {  	s31 =	sshll.u32 s6, $0x7;
	[tilespmem:s10+$0xFFFFFFF0] =	vst v21;
	(pc) =	sbr.rel @p0 .LBB2_2-.Ltmp2, $4  }
0x29c: {  	s6 =	sshll.u32 s6, $0xA;
	s7 =	sand.u32 $0x3F80, s31;
	[tilespmem:s10+$0xFFFFFF70] =	vst v23  }
0x29d: {  	s6 =	sand.u32 $0xFFE0000, s6;
	s7 =	sadd.s32 s2, s7;
	[tilespmem:s10+$0xF0] =	vst v20  }
0x29e: {  	s6 =	sadd.s32 s6, s7;
	[tilespmem:s10+$0x70] =	vst v19  }
0x29f: {  	[hbm4b:s6+s1] =	stream.strided.scatter [tilespmem:s13], [sflag:$0x2], $0x2000, s0, s1, $0x38;
	[tilespmem:$0x16900] =	vst v63  }
0x2a0: {  	_ =	swait.ge [sflag:s25], $0x4000  }
0x2a1: {  	[sflag:s25] =	ssyncset.done $0x0  }
0x2a2: {  	s7 =	simm.s32 $0x2;
	[sflag:s25] =	ssyncadd.s32 $0xFFFFC000  }
0x2a3: {  	_ =	swait.ge [sflag:s7], $0x2000  }
0x2a4: {  	[sflag:s7] =	ssyncset.done $0x0  }
0x2a5: {  	[sflag:s7] =	ssyncadd.s32 $0xFFFFE000  }
0x2a6: {  	_ =	swait.ge [sflag:s7], $0x2000  }
0x2a7: {  	s8 =	rddreg [dreg:$0x5]  }
0x2a8: {  	s6 =	rddreg [dreg:$0x4];
	s8 =	sadd.s32 $0x1, s8  }
0x2a9: {  	p0 =	sne.s32 s8, s6  }
.Ltmp3:
0x2aa: {  	_ = 	snop;
	(pc) =	sbr.rel @p0 .LBB2_1-.Ltmp3, $3  }
0x2ab: {  	_ =	sdelay $0x1  }
0x2ac: {  	[sflag:s7] =	ssyncset.done $0x0  }
0x2ad: {  	[sflag:s7] =	ssyncadd.s32 $0xFFFFE000  }
0x2ae: {  	_ =	sfence.sel $0x180000  }
0x2af: {  	[bflag:$0x0] =	sbarrier.arrive $0xFFFF  }
0x2b0: {  	_ =	strace $0x90000047  }
0x2b1: {  	s0 =	stileid.u32;
	[bflag:$0x2] =	sbarrier.arrive $0xFFFF  }
0x2b2: {  	p0 =	sne.s32 s0, $0x0;
	s0 =	rddreg [dreg:$0x2]  }
0x2b3: {  	s0 =	sadd.s32 @!p0 $0x100000, s0  }
0x2b4: {  	[sflag:s0] =	ssyncadd.tile.s32 @!p0 $0x1;
	_ =	shalt  }
.Lfunc_end2:
_tile_overlayer_lowered:
.L_overlay_start_2:
0x2b5: {  	(tag) =	ssettag $0x2  }
0x2b6: {  	s0 =	rddreg [dreg:$0x0];
	s2 =	stileid.u32  }
0x2b7: {  	s1 =	rddreg [dreg:$0x1];
	p0 =	sne.s32 s2, $0x0  }
0x2b8: {  	s3 =	rddreg [dreg:$0x2];
	[bflag:$0x3] =	sbarrier.arrive $0xFFFF;
	s2 =	simm.s32 @!p0 $0x1C03  }
0x2b9: {  	[timem:s3], [sflag:s2] =	dma.local @!p0 [hbm:s0], s1  }
0x2ba: {  	s0 =	simm.s32 @!p0 $0x3  }
0x2bb: {  	_ =	swait.ge @!p0 [sflag:s0], s1  }
0x2bc: {  	s1 =	ssub.s32 @!p0 $0x0, s1;
	[sflag:s0] =	ssyncset.done @!p0 $0x0  }
0x2bd: {  	[sflag:s0] =	ssyncadd.s32 @!p0 s1  }
0x2be: {  	[bflag:$0x3] =	sbarrier.arrive $0xFFFF  }
0x2bf: {  	_ =	shalt  }

</sc_bundles>
